<compile_context>
chip_gen: v7x
topology: tpu7x:2x2x1
jax: 0.10.2.dev20260603
libtpu: 0.0.44.dev20260713+nightly
codegen_flags: <defaults>
</compile_context>

<pallas_src>
import functools

import jax
import jax.numpy as jnp
from jax import lax
from jax.experimental import pallas as pl
from jax.experimental.pallas import tpu as pltpu
from jax.experimental.pallas import tpu_sc as plsc

N = 10000
D = 128
E = 320000
NT = 5
NC, NS = 2, 16
NW = NC * NS
NPAD = 10240
ROWS_PER_TILE = NPAD // NS
EDGES_PER_TILE = E // NW
EPAD = NW * 10240
EDGES_PER_TILE_P = EPAD // NW
CHUNK = 200
NCHUNK = EDGES_PER_TILE // CHUNK
ACHUNK = 128
ANCHUNK = EDGES_PER_TILE_P // ACHUNK
IDXG = 40
NGROUP = ANCHUNK // IDXG

def _deg_body(dst_hbm, ones_hbm, init_hbm, out_hbm, idx_v, ones_v, deg_sh):
    cid = lax.axis_index("c")
    sid = lax.axis_index("s")
    wid = cid * NS + sid
    row0 = sid * ROWS_PER_TILE
    pltpu.sync_copy(init_hbm.at[pl.ds(cid * NPAD + row0, ROWS_PER_TILE)],
                    deg_sh.at[pl.ds(row0, ROWS_PER_TILE)])
    pltpu.sync_copy(dst_hbm.at[pl.ds(wid * EDGES_PER_TILE, EDGES_PER_TILE)], idx_v)
    pltpu.sync_copy(ones_hbm, ones_v)
    plsc.subcore_barrier()
    pltpu.sync_copy(ones_v, deg_sh.at[idx_v], add=True)
    plsc.subcore_barrier()
    pltpu.sync_copy(deg_sh.at[pl.ds(row0, ROWS_PER_TILE)],
                    out_hbm.at[pl.ds(cid * NPAD + row0, ROWS_PER_TILE)])


def _prep_body(degp_ref, z_ref, wg_ref, y_ref, dinv_ref, w_ref, loss_ref):
    deg = degp_ref[:, 0:1] + degp_ref[:, 1:2]
    dinv = lax.rsqrt(jnp.maximum(deg, 1.0))
    z = z_ref[...]
    y_ref[...] = dinv * z
    dinv_ref[...] = dinv
    logits = lax.dot_general(wg_ref[...], z, (((0,), (1,)), ((), ())),
                             preferred_element_type=jnp.float32)
    iota = lax.broadcasted_iota(jnp.int32, (NT, N), 0)
    m1 = jnp.max(logits, axis=0, keepdims=True)
    i1 = jnp.min(jnp.where(logits == m1, iota, NT), axis=0, keepdims=True)
    masked = jnp.where(iota == i1, -jnp.inf, logits)
    m2 = jnp.max(masked, axis=0, keepdims=True)
    i2 = jnp.min(jnp.where(masked == m2, iota, NT), axis=0, keepdims=True)
    e = jnp.exp(m2 - m1)
    w1 = 1.0 / (1.0 + e)
    w2 = e / (1.0 + e)
    w = jnp.where(iota == i1, w1, 0.0) + jnp.where(iota == i2, w2, 0.0)
    w_ref[...] = w.T
    imp = jnp.sum(w, axis=1)
    mean = jnp.mean(imp)
    std = jnp.sqrt(jnp.mean((imp - mean) ** 2))
    loss_ref[...] = jnp.reshape((std / (mean + 1e-9)) ** 2, (1, 1))


def _prep(degp_t, z, w_gate):
    return pl.pallas_call(
        _prep_body,
        out_shape=(jax.ShapeDtypeStruct((N, D), jnp.float32),
                   jax.ShapeDtypeStruct((N, 1), jnp.float32),
                   jax.ShapeDtypeStruct((N, NT), jnp.float32),
                   jax.ShapeDtypeStruct((1, 1), jnp.float32)),
    )(degp_t, z, w_gate)


def _acc_body(src_hbm, dst_hbm, y_hbm, zeros_hbm, out_hbm,
              srcs_v, dsts_v, rows0, rows1, acc_sh, sem0, sem1):
    cid = lax.axis_index("c")
    sid = lax.axis_index("s")
    wid = cid * NS + sid
    row0 = sid * ROWS_PER_TILE
    zcp = pltpu.async_copy(zeros_hbm, acc_sh.at[pl.ds(row0, ROWS_PER_TILE)],
                           sem0)

    dummy = y_hbm.at[pl.ds(0, ACHUNK)]

    for g in range(NGROUP):
        pltpu.sync_copy(src_hbm.at[wid, pl.ds(g * IDXG, IDXG)], srcs_v)
        pltpu.sync_copy(dst_hbm.at[wid, pl.ds(g * IDXG, IDXG)], dsts_v)
        if g == 0:
            zcp.wait()
            plsc.subcore_barrier()

        pltpu.async_copy(y_hbm.at[srcs_v.at[0]], rows0, sem0)
        pltpu.async_copy(y_hbm.at[srcs_v.at[1]], rows1, sem1)

        def body(j, _):
            pltpu.make_async_copy(dummy, rows0, sem0).wait()
            pltpu.sync_copy(rows0, acc_sh.at[dsts_v.at[2 * j]], add=True)
            pltpu.async_copy(y_hbm.at[srcs_v.at[2 * j + 2]], rows0, sem0)
            pltpu.make_async_copy(dummy, rows1, sem1).wait()
            pltpu.sync_copy(rows1, acc_sh.at[dsts_v.at[2 * j + 1]], add=True)
            pltpu.async_copy(y_hbm.at[srcs_v.at[2 * j + 3]], rows1, sem1)
            return 0

        lax.fori_loop(0, IDXG // 2 - 1, body, 0)
        pltpu.make_async_copy(dummy, rows0, sem0).wait()
        pltpu.sync_copy(rows0, acc_sh.at[dsts_v.at[IDXG - 2]], add=True)
        pltpu.make_async_copy(dummy, rows1, sem1).wait()
        pltpu.sync_copy(rows1, acc_sh.at[dsts_v.at[IDXG - 1]], add=True)

    plsc.subcore_barrier()
    pltpu.sync_copy(acc_sh.at[pl.ds(row0, ROWS_PER_TILE)],
                    out_hbm.at[cid, pl.ds(row0, ROWS_PER_TILE)])


@functools.cache
def _sc_kernels():
    mesh = plsc.VectorSubcoreMesh(core_axis_name="c", subcore_axis_name="s")
    deg = pl.kernel(
        _deg_body,
        out_type=jax.ShapeDtypeStruct((NC * NPAD,), jnp.float32),
        mesh=mesh,
        scratch_types=[
            pltpu.VMEM((EDGES_PER_TILE,), jnp.int32),
            pltpu.VMEM((EDGES_PER_TILE,), jnp.float32),
            pltpu.VMEM_SHARED((NPAD,), jnp.float32),
        ],
    )
    acc = pl.kernel(
        _acc_body,
        out_type=jax.ShapeDtypeStruct((NC, NPAD, D), jnp.float32),
        mesh=mesh,
        scratch_types=[
            pltpu.VMEM((IDXG, ACHUNK), jnp.int32),
            pltpu.VMEM((IDXG, ACHUNK), jnp.int32),
            pltpu.VMEM((ACHUNK, D), jnp.float32),
            pltpu.VMEM((ACHUNK, D), jnp.float32),
            pltpu.VMEM_SHARED((NPAD, D), jnp.float32),
            pltpu.SemaphoreType.DMA,
            pltpu.SemaphoreType.DMA,
        ],
    )
    return deg, acc


RB = 2000


def _fuse_body(acc_ref, y_ref, dinv_ref, w_ref, wf_ref, out_ref):
    a = acc_ref[0] + acc_ref[1]
    h = dinv_ref[...] * (a + y_ref[...])
    hw = jnp.dot(h, wf_ref[...], preferred_element_type=jnp.float32)
    out = w_ref[:, 0:1] * hw[:, 0:D]
    for t in range(1, NT):
        out += w_ref[:, t:t + 1] * hw[:, t * D:(t + 1) * D]
    out_ref[...] = out


def _fuse(accp, y, dinv, w, w_flat):
    return pl.pallas_call(
        _fuse_body,
        grid=(N // RB,),
        in_specs=[
            pl.BlockSpec((NC, RB, D), lambda i: (0, i, 0)),
            pl.BlockSpec((RB, D), lambda i: (i, 0)),
            pl.BlockSpec((RB, 1), lambda i: (i, 0)),
            pl.BlockSpec((RB, NT), lambda i: (i, 0)),
            pl.BlockSpec((D, NT * D), lambda i: (0, 0)),
        ],
        out_specs=pl.BlockSpec((RB, D), lambda i: (i, 0)),
        out_shape=jax.ShapeDtypeStruct((N, D), jnp.float32),
    )(accp, y, dinv, w, w_flat)


def kernel(z, edge_index, W_gate, W_experts):
    src = edge_index[0].astype(jnp.int32)
    dst = edge_index[1].astype(jnp.int32)
    ones = jnp.ones((EDGES_PER_TILE,), jnp.float32)
    init = jnp.concatenate([jnp.ones((NPAD,), jnp.float32),
                            jnp.zeros((NPAD,), jnp.float32)])
    zeros = jnp.zeros((ROWS_PER_TILE, D), jnp.float32)
    w_flat = W_experts.transpose(1, 0, 2).reshape(D, NT * D)

    npadedge = EPAD - E
    src_p = jnp.concatenate([src, jnp.arange(npadedge, dtype=jnp.int32) % N])
    dst_p = jnp.concatenate([dst, N + jnp.arange(npadedge, dtype=jnp.int32)
                             % (NPAD - N)])
    src3d = src_p.reshape(NW, ANCHUNK, ACHUNK)
    dst3d = dst_p.reshape(NW, ANCHUNK, ACHUNK)

    deg_kernel, acc_kernel = _sc_kernels()
    degp = deg_kernel(dst, ones, init)
    degp_t = jnp.stack([degp[:N], degp[NPAD:NPAD + N]], axis=1)
    y, dinv, w_dense, loss = _prep(degp_t, z, W_gate)
    accp = acc_kernel(src3d, dst3d, y, zeros)
    fusion = _fuse(accp, y, dinv, w_dense, w_flat)
    return fusion, loss[0, 0], w_dense

# --- scband reference (transcript-rebuilt; emitter-appended) ---
"""Pipeline reference for scband-moe-ssl-38096359915634 (READ-ONLY COPY).

The authoritative reference and input builder live on the scoring server;
editing this copy changes nothing except your own understanding.
"""

import jax, jax.numpy as jnp
import numpy as np

N_NODES = 10000
N_EDGES = 320000
D = 128
N_TASKS = 5
TOP_K = 2


def setup_inputs(seed: int = 0) -> dict:
    key = jax.random.key(seed)
    k1, k2, k3, k4 = jax.random.split(key, 4)
    z = jax.random.normal(k1, (N_NODES, D), dtype=jnp.float32)
    edge_index = jax.random.randint(k2, (2, N_EDGES), 0, N_NODES, dtype=jnp.int64)
    # learned params: gate linear + per-task GCN2 weights (hid_dim[1] -> hid_dim[1])
    W_gate = jax.random.normal(k3, (D, N_TASKS), dtype=jnp.float32) / np.sqrt(D)
    W_experts = jax.random.normal(k4, (N_TASKS, D, D), dtype=jnp.float32) / np.sqrt(D)
    return {"z": z, "edge_index": edge_index, "W_gate": W_gate, "W_experts": W_experts}


def _gcn_prop(x, src, dst, coef, n):
    # memory-bound: gather node features along edges, scale, scatter-add to dst
    msgs = jnp.take(x, src, axis=0) * coef[:, None]
    return jax.ops.segment_sum(msgs, dst, num_segments=n)


def reference(z, edge_index, W_gate, W_experts):
    n = z.shape[0]
    # ---- normalized adjacency (D^-1/2 (A+I) D^-1/2), as in normalize_adj_tensor ----
    loops = jnp.arange(n, dtype=edge_index.dtype)
    src = jnp.concatenate([edge_index[0], loops])
    dst = jnp.concatenate([edge_index[1], loops])
    deg = jax.ops.segment_sum(jnp.ones_like(dst, dtype=jnp.float32), dst, num_segments=n)
    dinv = jax.lax.rsqrt(jnp.maximum(deg, 1.0))
    coef = jnp.take(dinv, src) * jnp.take(dinv, dst)
    # ---- NaiveGate: linear -> top_k -> softmax over selected, scattered dense ----
    logits = z @ W_gate                              # [N, E]
    top_val, top_idx = jax.lax.top_k(logits, TOP_K)  # [N, k]
    top_w = jax.nn.softmax(top_val, axis=-1)
    rows = jnp.arange(n)[:, None]
    nodes_weight_ori = jnp.zeros((n, N_TASKS), dtype=z.dtype).at[rows, top_idx].set(top_w)
    # load-balance aux loss (coefficient of variation squared of importance)
    importance = nodes_weight_ori.sum(axis=0)
    loss_balan = (jnp.std(importance) / (jnp.mean(importance) + 1e-9)) ** 2
    # ---- per-ssl-expert gcn2_forward: adj_norm @ (z @ W_e) ----
    expert_outs = []
    for e in range(N_TASKS):
        xe = z @ W_experts[e]
        expert_outs.append(_gcn_prop(xe, src, dst, coef, n))
    ssl_emb_tensor = jnp.stack(expert_outs, axis=0)  # [E, N, D]
    # ---- fusion: sum_e weight[n,e] * emb[e,n,:] ----
    fusion_emb = jnp.einsum('end,ne->nd', ssl_emb_tensor, nodes_weight_ori)
    return (fusion_emb, loss_balan, nodes_weight_ori)

if __name__ == "__main__":
    import jax
    _d = setup_inputs()
    print(jax.jit(kernel)(*tuple(_d.values())))

</pallas_src>

<mosaic_0001>
#map = affine_map<(d0, d1) -> (0)>
module attributes {stable_mosaic.version = 14 : i64} {
  func.func @_deg_body(%arg0: i32, %arg1: i32, %arg2: memref<320000xi32, #tpu.memory_space<hbm>>, %arg3: memref<10000xf32, #tpu.memory_space<hbm>>, %arg4: memref<20480xf32, #tpu.memory_space<hbm>>, %arg5: memref<20480xf32, #tpu.memory_space<hbm>>, %arg6: memref<10000xi32, #tpu.memory_space<vmem>>, %arg7: memref<10000xf32, #tpu.memory_space<vmem>>, %arg8: memref<10240xf32, #tpu.memory_space<vmem_shared>>) attributes {dimension_semantics = [#tpu.dimension_semantics<core_parallel>, #tpu.dimension_semantics<subcore_parallel>], iteration_bounds = array<i64: 2, 16>, scalar_prefetch = 0 : i64, scratch_operands = 3 : i64, tpu.core_type = #tpu.core_type<sc_vector_subcore>, window_params = [{transform_indices = #map}, {transform_indices = #map}, {transform_indices = #map}, {transform_indices = #map}]} {
    %mul3A = arith.constant 16 : i32
    %mul3A_0 = arith.muli %arg0, %mul3A : i32
    %add3A = arith.addi %mul3A_0, %arg1 : i32
    %mul3A_1 = arith.constant 640 : i32
    %mul3A_2 = arith.muli %arg1, %mul3A_1 : i32
    %mul3A_3 = arith.constant 10240 : i32
    %mul3A_4 = arith.muli %arg0, %mul3A_3 : i32
    %add3A_5 = arith.addi %mul3A_4, %mul3A_2 : i32
    "tpu.region"() ({
      %run_scoped3A = tpu.sem_alloc : memref<!tpu.dma_semaphore, #tpu.memory_space<semaphore_mem>>
      %dma_start3A = tpu.memref_slice %arg8[%mul3A_2] : memref<10240xf32, #tpu.memory_space<vmem_shared>> -> memref<640xf32, #tpu.memory_space<vmem_shared>>
      %dma_start3A_12 = tpu.memref_slice %arg4[%add3A_5] : memref<20480xf32, #tpu.memory_space<hbm>> -> memref<640xf32, #tpu.memory_space<hbm>>
      tpu.enqueue_dma source(%dma_start3A_12 : memref<640xf32, #tpu.memory_space<hbm>>) target(%dma_start3A : memref<640xf32, #tpu.memory_space<vmem_shared>>) target_semaphore(%run_scoped3A : memref<!tpu.dma_semaphore, #tpu.memory_space<semaphore_mem>>)
      %dma_wait3A = tpu.memref_slice %arg8[%mul3A_2] : memref<10240xf32, #tpu.memory_space<vmem_shared>> -> memref<640xf32, #tpu.memory_space<vmem_shared>>
      %dma_wait3A_13 = tpu.memref_slice %arg4[%add3A_5] : memref<20480xf32, #tpu.memory_space<hbm>> -> memref<640xf32, #tpu.memory_space<hbm>>
      tpu.wait_dma2 semaphore(%run_scoped3A : memref<!tpu.dma_semaphore, #tpu.memory_space<semaphore_mem>>) src(%dma_wait3A_13 : memref<640xf32, #tpu.memory_space<hbm>>) dst(%dma_wait3A : memref<640xf32, #tpu.memory_space<vmem_shared>>)
      tpu.yield
    }) : () -> ()
    %mul3A_6 = arith.constant 10000 : i32
    %mul3A_7 = arith.muli %add3A, %mul3A_6 : i32
    "tpu.region"() ({
      %run_scoped3A = tpu.sem_alloc : memref<!tpu.dma_semaphore, #tpu.memory_space<semaphore_mem>>
      %dma_start3A = tpu.memref_slice %arg2[%mul3A_7] : memref<320000xi32, #tpu.memory_space<hbm>> -> memref<10000xi32, #tpu.memory_space<hbm>>
      %dma_start3A_12 = tpu.memref_slice %arg2[%mul3A_7] : memref<320000xi32, #tpu.memory_space<hbm>> -> memref<10000xi32, #tpu.memory_space<hbm>>
      tpu.enqueue_dma source(%dma_start3A_12 : memref<10000xi32, #tpu.memory_space<hbm>>) target(%arg6 : memref<10000xi32, #tpu.memory_space<vmem>>) target_semaphore(%run_scoped3A : memref<!tpu.dma_semaphore, #tpu.memory_space<semaphore_mem>>)
      %dma_wait3A = tpu.memref_slice %arg2[%mul3A_7] : memref<320000xi32, #tpu.memory_space<hbm>> -> memref<10000xi32, #tpu.memory_space<hbm>>
      %dma_wait3A_13 = tpu.memref_slice %arg2[%mul3A_7] : memref<320000xi32, #tpu.memory_space<hbm>> -> memref<10000xi32, #tpu.memory_space<hbm>>
      tpu.wait_dma2 semaphore(%run_scoped3A : memref<!tpu.dma_semaphore, #tpu.memory_space<semaphore_mem>>) src(%dma_wait3A_13 : memref<10000xi32, #tpu.memory_space<hbm>>) dst(%arg6 : memref<10000xi32, #tpu.memory_space<vmem>>)
      tpu.yield
    }) : () -> ()
    "tpu.region"() ({
      %run_scoped3A = tpu.sem_alloc : memref<!tpu.dma_semaphore, #tpu.memory_space<semaphore_mem>>
      tpu.enqueue_dma source(%arg3 : memref<10000xf32, #tpu.memory_space<hbm>>) target(%arg7 : memref<10000xf32, #tpu.memory_space<vmem>>) target_semaphore(%run_scoped3A : memref<!tpu.dma_semaphore, #tpu.memory_space<semaphore_mem>>)
      tpu.wait_dma2 semaphore(%run_scoped3A : memref<!tpu.dma_semaphore, #tpu.memory_space<semaphore_mem>>) src(%arg3 : memref<10000xf32, #tpu.memory_space<hbm>>) dst(%arg7 : memref<10000xf32, #tpu.memory_space<vmem>>)
      tpu.yield
    }) : () -> ()
    %barrier3A = arith.constant 0 : index
    tpu.barrier barrier_id(%barrier3A)
    "tpu.region"() ({
      %run_scoped3A = tpu.sem_alloc : memref<!tpu.dma_semaphore, #tpu.memory_space<semaphore_mem>>
      %dma_start3A = arith.constant 0 : i32
      %dma_start3A_12 = tpu.memref_slice %arg8[%dma_start3A] : memref<10240xf32, #tpu.memory_space<vmem_shared>> -> memref<10240xf32, #tpu.memory_space<vmem_shared>>
      tpu.enqueue_indirect_dma source(%arg7 : memref<10000xf32, #tpu.memory_space<vmem>>) target(%dma_start3A_12 : memref<10240xf32, #tpu.memory_space<vmem_shared>>) offsets(%arg6 : memref<10000xi32, #tpu.memory_space<vmem>>) semaphore(%run_scoped3A : memref<!tpu.dma_semaphore, #tpu.memory_space<semaphore_mem>>) {add = true}
      %dma_wait3A = arith.constant 0 : i32
      %dma_wait3A_13 = tpu.memref_slice %arg8[%dma_wait3A] : memref<10240xf32, #tpu.memory_space<vmem_shared>> -> memref<10240xf32, #tpu.memory_space<vmem_shared>>
      tpu.wait_indirect_dma semaphore(%run_scoped3A : memref<!tpu.dma_semaphore, #tpu.memory_space<semaphore_mem>>) src(%arg7 : memref<10000xf32, #tpu.memory_space<vmem>>) dst(%dma_wait3A_13 : memref<10240xf32, #tpu.memory_space<vmem_shared>>)
      tpu.yield
    }) : () -> ()
    %barrier3A_8 = arith.constant 0 : index
    tpu.barrier barrier_id(%barrier3A_8)
    %mul3A_9 = arith.constant 10240 : i32
    %mul3A_10 = arith.muli %arg0, %mul3A_9 : i32
    %add3A_11 = arith.addi %mul3A_10, %mul3A_2 : i32
    "tpu.region"() ({
      %run_scoped3A = tpu.sem_alloc : memref<!tpu.dma_semaphore, #tpu.memory_space<semaphore_mem>>
      %dma_start3A = tpu.memref_slice %arg5[%add3A_11] : memref<20480xf32, #tpu.memory_space<hbm>> -> memref<640xf32, #tpu.memory_space<hbm>>
      %dma_start3A_12 = tpu.memref_slice %arg8[%mul3A_2] : memref<10240xf32, #tpu.memory_space<vmem_shared>> -> memref<640xf32, #tpu.memory_space<vmem_shared>>
      tpu.enqueue_dma source(%dma_start3A_12 : memref<640xf32, #tpu.memory_space<vmem_shared>>) target(%dma_start3A : memref<640xf32, #tpu.memory_space<hbm>>) target_semaphore(%run_scoped3A : memref<!tpu.dma_semaphore, #tpu.memory_space<semaphore_mem>>)
      %dma_wait3A = tpu.memref_slice %arg5[%add3A_11] : memref<20480xf32, #tpu.memory_space<hbm>> -> memref<640xf32, #tpu.memory_space<hbm>>
      %dma_wait3A_13 = tpu.memref_slice %arg8[%mul3A_2] : memref<10240xf32, #tpu.memory_space<vmem_shared>> -> memref<640xf32, #tpu.memory_space<vmem_shared>>
      tpu.wait_dma2 semaphore(%run_scoped3A : memref<!tpu.dma_semaphore, #tpu.memory_space<semaphore_mem>>) src(%dma_wait3A_13 : memref<640xf32, #tpu.memory_space<vmem_shared>>) dst(%dma_wait3A : memref<640xf32, #tpu.memory_space<hbm>>)
      tpu.yield
    }) : () -> ()
    return
  }
}

#map = affine_map<(d0, d1) -> (0, 0, 0)>
#map1 = affine_map<(d0, d1) -> (0, 0)>
module attributes {stable_mosaic.version = 14 : i64} {
  func.func @_acc_body(%arg0: i32, %arg1: i32, %arg2: memref<32x80x128xi32, #tpu.memory_space<hbm>>, %arg3: memref<32x80x128xi32, #tpu.memory_space<hbm>>, %arg4: memref<10000x128xf32, #tpu.memory_space<hbm>>, %arg5: memref<640x128xf32, #tpu.memory_space<hbm>>, %arg6: memref<2x10240x128xf32, #tpu.memory_space<hbm>>, %arg7: memref<40x128xi32, #tpu.memory_space<vmem>>, %arg8: memref<40x128xi32, #tpu.memory_space<vmem>>, %arg9: memref<128x128xf32, #tpu.memory_space<vmem>>, %arg10: memref<128x128xf32, #tpu.memory_space<vmem>>, %arg11: memref<10240x128xf32, #tpu.memory_space<vmem_shared>>, %arg12: memref<!tpu.dma_semaphore, #tpu.memory_space<semaphore_mem>>, %arg13: memref<!tpu.dma_semaphore, #tpu.memory_space<semaphore_mem>>) attributes {dimension_semantics = [#tpu.dimension_semantics<core_parallel>, #tpu.dimension_semantics<subcore_parallel>], iteration_bounds = array<i64: 2, 16>, scalar_prefetch = 0 : i64, scratch_operands = 7 : i64, tpu.core_type = #tpu.core_type<sc_vector_subcore>, window_params = [{transform_indices = #map}, {transform_indices = #map}, {transform_indices = #map1}, {transform_indices = #map1}, {transform_indices = #map}]} {
    %mul3A = arith.constant 16 : i32
    %mul3A_0 = arith.muli %arg0, %mul3A : i32
    %add3A = arith.addi %mul3A_0, %arg1 : i32
    %mul3A_1 = arith.constant 640 : i32
    %mul3A_2 = arith.muli %arg1, %mul3A_1 : i32
    %dma_start3A = arith.constant 0 : i32
    %dma_start3A_3 = tpu.memref_slice %arg11[%mul3A_2, %dma_start3A] : memref<10240x128xf32, #tpu.memory_space<vmem_shared>> -> memref<640x128xf32, #tpu.memory_space<vmem_shared>>
    tpu.enqueue_dma source(%arg5 : memref<640x128xf32, #tpu.memory_space<hbm>>) target(%dma_start3A_3 : memref<640x128xf32, #tpu.memory_space<vmem_shared>>) target_semaphore(%arg12 : memref<!tpu.dma_semaphore, #tpu.memory_space<semaphore_mem>>)
    "tpu.region"() ({
      %run_scoped3A_74 = tpu.sem_alloc : memref<!tpu.dma_semaphore, #tpu.memory_space<semaphore_mem>>
      %dma_start3A_75 = arith.constant 0 : i32
      %dma_start3A_76 = arith.constant 0 : i32
      %dma_start3A_77 = tpu.memref_slice %arg2[%add3A, %dma_start3A_75, %dma_start3A_76] : memref<32x80x128xi32, #tpu.memory_space<hbm>> -> memref<1x40x128xi32, #tpu.memory_space<hbm>>
      %dma_start3A_78 = tpu.memref_squeeze %dma_start3A_77 : memref<1x40x128xi32, #tpu.memory_space<hbm>> -> memref<40x128xi32, #tpu.memory_space<hbm>>
      %dma_start3A_79 = arith.constant 0 : i32
      %dma_start3A_80 = arith.constant 0 : i32
      %dma_start3A_81 = tpu.memref_slice %arg2[%add3A, %dma_start3A_79, %dma_start3A_80] : memref<32x80x128xi32, #tpu.memory_space<hbm>> -> memref<1x40x128xi32, #tpu.memory_space<hbm>>
      %dma_start3A_82 = tpu.memref_squeeze %dma_start3A_81 : memref<1x40x128xi32, #tpu.memory_space<hbm>> -> memref<40x128xi32, #tpu.memory_space<hbm>>
      tpu.enqueue_dma source(%dma_start3A_82 : memref<40x128xi32, #tpu.memory_space<hbm>>) target(%arg7 : memref<40x128xi32, #tpu.memory_space<vmem>>) target_semaphore(%run_scoped3A_74 : memref<!tpu.dma_semaphore, #tpu.memory_space<semaphore_mem>>)
      %dma_wait3A_83 = arith.constant 0 : i32
      %dma_wait3A_84 = arith.constant 0 : i32
      %dma_wait3A_85 = tpu.memref_slice %arg2[%add3A, %dma_wait3A_83, %dma_wait3A_84] : memref<32x80x128xi32, #tpu.memory_space<hbm>> -> memref<1x40x128xi32, #tpu.memory_space<hbm>>
      %dma_wait3A_86 = tpu.memref_squeeze %dma_wait3A_85 : memref<1x40x128xi32, #tpu.memory_space<hbm>> -> memref<40x128xi32, #tpu.memory_space<hbm>>
      %dma_wait3A_87 = arith.constant 0 : i32
      %dma_wait3A_88 = arith.constant 0 : i32
      %dma_wait3A_89 = tpu.memref_slice %arg2[%add3A, %dma_wait3A_87, %dma_wait3A_88] : memref<32x80x128xi32, #tpu.memory_space<hbm>> -> memref<1x40x128xi32, #tpu.memory_space<hbm>>
      %dma_wait3A_90 = tpu.memref_squeeze %dma_wait3A_89 : memref<1x40x128xi32, #tpu.memory_space<hbm>> -> memref<40x128xi32, #tpu.memory_space<hbm>>
      tpu.wait_dma2 semaphore(%run_scoped3A_74 : memref<!tpu.dma_semaphore, #tpu.memory_space<semaphore_mem>>) src(%dma_wait3A_90 : memref<40x128xi32, #tpu.memory_space<hbm>>) dst(%arg7 : memref<40x128xi32, #tpu.memory_space<vmem>>)
      tpu.yield
    }) : () -> ()
    "tpu.region"() ({
      %run_scoped3A_74 = tpu.sem_alloc : memref<!tpu.dma_semaphore, #tpu.memory_space<semaphore_mem>>
      %dma_start3A_75 = arith.constant 0 : i32
      %dma_start3A_76 = arith.constant 0 : i32
      %dma_start3A_77 = tpu.memref_slice %arg3[%add3A, %dma_start3A_75, %dma_start3A_76] : memref<32x80x128xi32, #tpu.memory_space<hbm>> -> memref<1x40x128xi32, #tpu.memory_space<hbm>>
      %dma_start3A_78 = tpu.memref_squeeze %dma_start3A_77 : memref<1x40x128xi32, #tpu.memory_space<hbm>> -> memref<40x128xi32, #tpu.memory_space<hbm>>
      %dma_start3A_79 = arith.constant 0 : i32
      %dma_start3A_80 = arith.constant 0 : i32
      %dma_start3A_81 = tpu.memref_slice %arg3[%add3A, %dma_start3A_79, %dma_start3A_80] : memref<32x80x128xi32, #tpu.memory_space<hbm>> -> memref<1x40x128xi32, #tpu.memory_space<hbm>>
      %dma_start3A_82 = tpu.memref_squeeze %dma_start3A_81 : memref<1x40x128xi32, #tpu.memory_space<hbm>> -> memref<40x128xi32, #tpu.memory_space<hbm>>
      tpu.enqueue_dma source(%dma_start3A_82 : memref<40x128xi32, #tpu.memory_space<hbm>>) target(%arg8 : memref<40x128xi32, #tpu.memory_space<vmem>>) target_semaphore(%run_scoped3A_74 : memref<!tpu.dma_semaphore, #tpu.memory_space<semaphore_mem>>)
      %dma_wait3A_83 = arith.constant 0 : i32
      %dma_wait3A_84 = arith.constant 0 : i32
      %dma_wait3A_85 = tpu.memref_slice %arg3[%add3A, %dma_wait3A_83, %dma_wait3A_84] : memref<32x80x128xi32, #tpu.memory_space<hbm>> -> memref<1x40x128xi32, #tpu.memory_space<hbm>>
      %dma_wait3A_86 = tpu.memref_squeeze %dma_wait3A_85 : memref<1x40x128xi32, #tpu.memory_space<hbm>> -> memref<40x128xi32, #tpu.memory_space<hbm>>
      %dma_wait3A_87 = arith.constant 0 : i32
      %dma_wait3A_88 = arith.constant 0 : i32
      %dma_wait3A_89 = tpu.memref_slice %arg3[%add3A, %dma_wait3A_87, %dma_wait3A_88] : memref<32x80x128xi32, #tpu.memory_space<hbm>> -> memref<1x40x128xi32, #tpu.memory_space<hbm>>
      %dma_wait3A_90 = tpu.memref_squeeze %dma_wait3A_89 : memref<1x40x128xi32, #tpu.memory_space<hbm>> -> memref<40x128xi32, #tpu.memory_space<hbm>>
      tpu.wait_dma2 semaphore(%run_scoped3A_74 : memref<!tpu.dma_semaphore, #tpu.memory_space<semaphore_mem>>) src(%dma_wait3A_90 : memref<40x128xi32, #tpu.memory_space<hbm>>) dst(%arg8 : memref<40x128xi32, #tpu.memory_space<vmem>>)
      tpu.yield
    }) : () -> ()
    %dma_wait3A = arith.constant 0 : i32
    %dma_wait3A_4 = tpu.memref_slice %arg11[%mul3A_2, %dma_wait3A] : memref<10240x128xf32, #tpu.memory_space<vmem_shared>> -> memref<640x128xf32, #tpu.memory_space<vmem_shared>>
    tpu.wait_dma2 semaphore(%arg12 : memref<!tpu.dma_semaphore, #tpu.memory_space<semaphore_mem>>) src(%arg5 : memref<640x128xf32, #tpu.memory_space<hbm>>) dst(%dma_wait3A_4 : memref<640x128xf32, #tpu.memory_space<vmem_shared>>)
    %barrier3A = arith.constant 0 : index
    tpu.barrier barrier_id(%barrier3A)
    %dma_start3A_5 = arith.constant 0 : i32
    %dma_start3A_6 = arith.constant 0 : i32
    %dma_start3A_7 = tpu.memref_slice %arg7[%dma_start3A_5, %dma_start3A_6] : memref<40x128xi32, #tpu.memory_space<vmem>> -> memref<1x128xi32, #tpu.memory_space<vmem>>
    %dma_start3A_8 = tpu.memref_squeeze %dma_start3A_7 : memref<1x128xi32, #tpu.memory_space<vmem>> -> memref<128xi32, #tpu.memory_space<vmem>>
    %dma_start3A_9 = arith.constant 0 : i32
    %dma_start3A_10 = arith.constant 0 : i32
    %dma_start3A_11 = tpu.memref_slice %arg4[%dma_start3A_9, %dma_start3A_10] : memref<10000x128xf32, #tpu.memory_space<hbm>> -> memref<10000x128xf32, #tpu.memory_space<hbm>>
    tpu.enqueue_indirect_dma source(%dma_start3A_11 : memref<10000x128xf32, #tpu.memory_space<hbm>>) target(%arg9 : memref<128x128xf32, #tpu.memory_space<vmem>>) offsets(%dma_start3A_8 : memref<128xi32, #tpu.memory_space<vmem>>) semaphore(%arg12 : memref<!tpu.dma_semaphore, #tpu.memory_space<semaphore_mem>>)
    %dma_start3A_12 = arith.constant 1 : i32
    %dma_start3A_13 = arith.constant 0 : i32
    %dma_start3A_14 = tpu.memref_slice %arg7[%dma_start3A_12, %dma_start3A_13] : memref<40x128xi32, #tpu.memory_space<vmem>> -> memref<1x128xi32, #tpu.memory_space<vmem>>
    %dma_start3A_15 = tpu.memref_squeeze %dma_start3A_14 : memref<1x128xi32, #tpu.memory_space<vmem>> -> memref<128xi32, #tpu.memory_space<vmem>>
    %dma_start3A_16 = arith.constant 0 : i32
    %dma_start3A_17 = arith.constant 0 : i32
    %dma_start3A_18 = tpu.memref_slice %arg4[%dma_start3A_16, %dma_start3A_17] : memref<10000x128xf32, #tpu.memory_space<hbm>> -> memref<10000x128xf32, #tpu.memory_space<hbm>>
    tpu.enqueue_indirect_dma source(%dma_start3A_18 : memref<10000x128xf32, #tpu.memory_space<hbm>>) target(%arg10 : memref<128x128xf32, #tpu.memory_space<vmem>>) offsets(%dma_start3A_15 : memref<128xi32, #tpu.memory_space<vmem>>) semaphore(%arg13 : memref<!tpu.dma_semaphore, #tpu.memory_space<semaphore_mem>>)
    %scan3A = arith.constant 0 : i32
    %scan3A_19 = arith.constant 0 : i32
    %scan3A_20 = arith.constant 19 : i32
    %scan3A_21 = arith.addi %scan3A_19, %scan3A_20 : i32
    %scan3A_22 = arith.constant 1 : i32
    %scan3A_23 = scf.for %scan3A_74 = %scan3A_19 to %scan3A_21 step %scan3A_22 iter_args(%scan3A_75 = %scan3A) -> (i32)  : i32 {
      %dma_wait3A_76 = arith.constant 0 : i32
      %dma_wait3A_77 = arith.constant 0 : i32
      %dma_wait3A_78 = tpu.memref_slice %arg4[%dma_wait3A_76, %dma_wait3A_77] : memref<10000x128xf32, #tpu.memory_space<hbm>> -> memref<128x128xf32, #tpu.memory_space<hbm>>
      %dma_wait3A_79 = arith.constant 0 : i32
      %dma_wait3A_80 = arith.constant 0 : i32
      %dma_wait3A_81 = tpu.memref_slice %arg4[%dma_wait3A_79, %dma_wait3A_80] : memref<10000x128xf32, #tpu.memory_space<hbm>> -> memref<128x128xf32, #tpu.memory_space<hbm>>
      tpu.wait_dma2 semaphore(%arg12 : memref<!tpu.dma_semaphore, #tpu.memory_space<semaphore_mem>>) src(%dma_wait3A_81 : memref<128x128xf32, #tpu.memory_space<hbm>>) dst(%arg9 : memref<128x128xf32, #tpu.memory_space<vmem>>)
      %mul3A_82 = arith.constant 2 : i32
      %mul3A_83 = arith.muli %mul3A_82, %scan3A_74 : i32
      "tpu.region"() ({
        %run_scoped3A_115 = tpu.sem_alloc : memref<!tpu.dma_semaphore, #tpu.memory_space<semaphore_mem>>
        %dma_start3A_116 = arith.constant 0 : i32
        %dma_start3A_117 = tpu.memref_slice %arg8[%mul3A_83, %dma_start3A_116] : memref<40x128xi32, #tpu.memory_space<vmem>> -> memref<1x128xi32, #tpu.memory_space<vmem>>
        %dma_start3A_118 = tpu.memref_squeeze %dma_start3A_117 : memref<1x128xi32, #tpu.memory_space<vmem>> -> memref<128xi32, #tpu.memory_space<vmem>>
        %dma_start3A_119 = arith.constant 0 : i32
        %dma_start3A_120 = arith.constant 0 : i32
        %dma_start3A_121 = tpu.memref_slice %arg11[%dma_start3A_119, %dma_start3A_120] : memref<10240x128xf32, #tpu.memory_space<vmem_shared>> -> memref<10240x128xf32, #tpu.memory_space<vmem_shared>>
        tpu.enqueue_indirect_dma source(%arg9 : memref<128x128xf32, #tpu.memory_space<vmem>>) target(%dma_start3A_121 : memref<10240x128xf32, #tpu.memory_space<vmem_shared>>) offsets(%dma_start3A_118 : memref<128xi32, #tpu.memory_space<vmem>>) semaphore(%run_scoped3A_115 : memref<!tpu.dma_semaphore, #tpu.memory_space<semaphore_mem>>) {add = true}
        %dma_wait3A_122 = arith.constant 0 : i32
        %dma_wait3A_123 = tpu.memref_slice %arg8[%mul3A_83, %dma_wait3A_122] : memref<40x128xi32, #tpu.memory_space<vmem>> -> memref<1x128xi32, #tpu.memory_space<vmem>>
        %dma_wait3A_124 = tpu.memref_squeeze %dma_wait3A_123 : memref<1x128xi32, #tpu.memory_space<vmem>> -> memref<128xi32, #tpu.memory_space<vmem>>
        %dma_wait3A_125 = arith.constant 0 : i32
        %dma_wait3A_126 = arith.constant 0 : i32
        %dma_wait3A_127 = tpu.memref_slice %arg11[%dma_wait3A_125, %dma_wait3A_126] : memref<10240x128xf32, #tpu.memory_space<vmem_shared>> -> memref<10240x128xf32, #tpu.memory_space<vmem_shared>>
        tpu.wait_indirect_dma semaphore(%run_scoped3A_115 : memref<!tpu.dma_semaphore, #tpu.memory_space<semaphore_mem>>) src(%arg9 : memref<128x128xf32, #tpu.memory_space<vmem>>) dst(%dma_wait3A_127 : memref<10240x128xf32, #tpu.memory_space<vmem_shared>>)
        tpu.yield
      }) : () -> ()
      %mul3A_84 = arith.constant 2 : i32
      %mul3A_85 = arith.muli %mul3A_84, %scan3A_74 : i32
      %add3A_86 = arith.constant 2 : i32
      %add3A_87 = arith.addi %mul3A_85, %add3A_86 : i32
      %dma_start3A_88 = arith.constant 0 : i32
      %dma_start3A_89 = tpu.memref_slice %arg7[%add3A_87, %dma_start3A_88] : memref<40x128xi32, #tpu.memory_space<vmem>> -> memref<1x128xi32, #tpu.memory_space<vmem>>
      %dma_start3A_90 = tpu.memref_squeeze %dma_start3A_89 : memref<1x128xi32, #tpu.memory_space<vmem>> -> memref<128xi32, #tpu.memory_space<vmem>>
      %dma_start3A_91 = arith.constant 0 : i32
      %dma_start3A_92 = arith.constant 0 : i32
      %dma_start3A_93 = tpu.memref_slice %arg4[%dma_start3A_91, %dma_start3A_92] : memref<10000x128xf32, #tpu.memory_space<hbm>> -> memref<10000x128xf32, #tpu.memory_space<hbm>>
      tpu.enqueue_indirect_dma source(%dma_start3A_93 : memref<10000x128xf32, #tpu.memory_space<hbm>>) target(%arg9 : memref<128x128xf32, #tpu.memory_space<vmem>>) offsets(%dma_start3A_90 : memref<128xi32, #tpu.memory_space<vmem>>) semaphore(%arg12 : memref<!tpu.dma_semaphore, #tpu.memory_space<semaphore_mem>>)
      %dma_wait3A_94 = arith.constant 0 : i32
      %dma_wait3A_95 = arith.constant 0 : i32
      %dma_wait3A_96 = tpu.memref_slice %arg4[%dma_wait3A_94, %dma_wait3A_95] : memref<10000x128xf32, #tpu.memory_space<hbm>> -> memref<128x128xf32, #tpu.memory_space<hbm>>
      %dma_wait3A_97 = arith.constant 0 : i32
      %dma_wait3A_98 = arith.constant 0 : i32
      %dma_wait3A_99 = tpu.memref_slice %arg4[%dma_wait3A_97, %dma_wait3A_98] : memref<10000x128xf32, #tpu.memory_space<hbm>> -> memref<128x128xf32, #tpu.memory_space<hbm>>
      tpu.wait_dma2 semaphore(%arg13 : memref<!tpu.dma_semaphore, #tpu.memory_space<semaphore_mem>>) src(%dma_wait3A_99 : memref<128x128xf32, #tpu.memory_space<hbm>>) dst(%arg10 : memref<128x128xf32, #tpu.memory_space<vmem>>)
      %mul3A_100 = arith.constant 2 : i32
      %mul3A_101 = arith.muli %mul3A_100, %scan3A_74 : i32
      %add3A_102 = arith.constant 1 : i32
      %add3A_103 = arith.addi %mul3A_101, %add3A_102 : i32
      "tpu.region"() ({
        %run_scoped3A_115 = tpu.sem_alloc : memref<!tpu.dma_semaphore, #tpu.memory_space<semaphore_mem>>
        %dma_start3A_116 = arith.constant 0 : i32
        %dma_start3A_117 = tpu.memref_slice %arg8[%add3A_103, %dma_start3A_116] : memref<40x128xi32, #tpu.memory_space<vmem>> -> memref<1x128xi32, #tpu.memory_space<vmem>>
        %dma_start3A_118 = tpu.memref_squeeze %dma_start3A_117 : memref<1x128xi32, #tpu.memory_space<vmem>> -> memref<128xi32, #tpu.memory_space<vmem>>
        %dma_start3A_119 = arith.constant 0 : i32
        %dma_start3A_120 = arith.constant 0 : i32
        %dma_start3A_121 = tpu.memref_slice %arg11[%dma_start3A_119, %dma_start3A_120] : memref<10240x128xf32, #tpu.memory_space<vmem_shared>> -> memref<10240x128xf32, #tpu.memory_space<vmem_shared>>
        tpu.enqueue_indirect_dma source(%arg10 : memref<128x128xf32, #tpu.memory_space<vmem>>) target(%dma_start3A_121 : memref<10240x128xf32, #tpu.memory_space<vmem_shared>>) offsets(%dma_start3A_118 : memref<128xi32, #tpu.memory_space<vmem>>) semaphore(%run_scoped3A_115 : memref<!tpu.dma_semaphore, #tpu.memory_space<semaphore_mem>>) {add = true}
        %dma_wait3A_122 = arith.constant 0 : i32
        %dma_wait3A_123 = tpu.memref_slice %arg8[%add3A_103, %dma_wait3A_122] : memref<40x128xi32, #tpu.memory_space<vmem>> -> memref<1x128xi32, #tpu.memory_space<vmem>>
        %dma_wait3A_124 = tpu.memref_squeeze %dma_wait3A_123 : memref<1x128xi32, #tpu.memory_space<vmem>> -> memref<128xi32, #tpu.memory_space<vmem>>
        %dma_wait3A_125 = arith.constant 0 : i32
        %dma_wait3A_126 = arith.constant 0 : i32
        %dma_wait3A_127 = tpu.memref_slice %arg11[%dma_wait3A_125, %dma_wait3A_126] : memref<10240x128xf32, #tpu.memory_space<vmem_shared>> -> memref<10240x128xf32, #tpu.memory_space<vmem_shared>>
        tpu.wait_indirect_dma semaphore(%run_scoped3A_115 : memref<!tpu.dma_semaphore, #tpu.memory_space<semaphore_mem>>) src(%arg10 : memref<128x128xf32, #tpu.memory_space<vmem>>) dst(%dma_wait3A_127 : memref<10240x128xf32, #tpu.memory_space<vmem_shared>>)
        tpu.yield
      }) : () -> ()
      %mul3A_104 = arith.constant 2 : i32
      %mul3A_105 = arith.muli %mul3A_104, %scan3A_74 : i32
      %add3A_106 = arith.constant 3 : i32
      %add3A_107 = arith.addi %mul3A_105, %add3A_106 : i32
      %dma_start3A_108 = arith.constant 0 : i32
      %dma_start3A_109 = tpu.memref_slice %arg7[%add3A_107, %dma_start3A_108] : memref<40x128xi32, #tpu.memory_space<vmem>> -> memref<1x128xi32, #tpu.memory_space<vmem>>
      %dma_start3A_110 = tpu.memref_squeeze %dma_start3A_109 : memref<1x128xi32, #tpu.memory_space<vmem>> -> memref<128xi32, #tpu.memory_space<vmem>>
      %dma_start3A_111 = arith.constant 0 : i32
      %dma_start3A_112 = arith.constant 0 : i32
      %dma_start3A_113 = tpu.memref_slice %arg4[%dma_start3A_111, %dma_start3A_112] : memref<10000x128xf32, #tpu.memory_space<hbm>> -> memref<10000x128xf32, #tpu.memory_space<hbm>>
      tpu.enqueue_indirect_dma source(%dma_start3A_113 : memref<10000x128xf32, #tpu.memory_space<hbm>>) target(%arg10 : memref<128x128xf32, #tpu.memory_space<vmem>>) offsets(%dma_start3A_110 : memref<128xi32, #tpu.memory_space<vmem>>) semaphore(%arg13 : memref<!tpu.dma_semaphore, #tpu.memory_space<semaphore_mem>>)
      %scan3A_114 = arith.constant 0 : i32
      scf.yield %scan3A_114 : i32
    }
    %scan3A_24 = arith.constant 19 : i32
    %dma_wait3A_25 = arith.constant 0 : i32
    %dma_wait3A_26 = arith.constant 0 : i32
    %dma_wait3A_27 = tpu.memref_slice %arg4[%dma_wait3A_25, %dma_wait3A_26] : memref<10000x128xf32, #tpu.memory_space<hbm>> -> memref<128x128xf32, #tpu.memory_space<hbm>>
    %dma_wait3A_28 = arith.constant 0 : i32
    %dma_wait3A_29 = arith.constant 0 : i32
    %dma_wait3A_30 = tpu.memref_slice %arg4[%dma_wait3A_28, %dma_wait3A_29] : memref<10000x128xf32, #tpu.memory_space<hbm>> -> memref<128x128xf32, #tpu.memory_space<hbm>>
    tpu.wait_dma2 semaphore(%arg12 : memref<!tpu.dma_semaphore, #tpu.memory_space<semaphore_mem>>) src(%dma_wait3A_30 : memref<128x128xf32, #tpu.memory_space<hbm>>) dst(%arg9 : memref<128x128xf32, #tpu.memory_space<vmem>>)
    %run_scoped3A = arith.constant 38 : i32
    "tpu.region"() ({
      %run_scoped3A_74 = tpu.sem_alloc : memref<!tpu.dma_semaphore, #tpu.memory_space<semaphore_mem>>
      %dma_start3A_75 = arith.constant 0 : i32
      %dma_start3A_76 = tpu.memref_slice %arg8[%run_scoped3A, %dma_start3A_75] : memref<40x128xi32, #tpu.memory_space<vmem>> -> memref<1x128xi32, #tpu.memory_space<vmem>>
      %dma_start3A_77 = tpu.memref_squeeze %dma_start3A_76 : memref<1x128xi32, #tpu.memory_space<vmem>> -> memref<128xi32, #tpu.memory_space<vmem>>
      %dma_start3A_78 = arith.constant 0 : i32
      %dma_start3A_79 = arith.constant 0 : i32
      %dma_start3A_80 = tpu.memref_slice %arg11[%dma_start3A_78, %dma_start3A_79] : memref<10240x128xf32, #tpu.memory_space<vmem_shared>> -> memref<10240x128xf32, #tpu.memory_space<vmem_shared>>
      tpu.enqueue_indirect_dma source(%arg9 : memref<128x128xf32, #tpu.memory_space<vmem>>) target(%dma_start3A_80 : memref<10240x128xf32, #tpu.memory_space<vmem_shared>>) offsets(%dma_start3A_77 : memref<128xi32, #tpu.memory_space<vmem>>) semaphore(%run_scoped3A_74 : memref<!tpu.dma_semaphore, #tpu.memory_space<semaphore_mem>>) {add = true}
      %dma_wait3A_81 = arith.constant 0 : i32
      %dma_wait3A_82 = tpu.memref_slice %arg8[%run_scoped3A, %dma_wait3A_81] : memref<40x128xi32, #tpu.memory_space<vmem>> -> memref<1x128xi32, #tpu.memory_space<vmem>>
      %dma_wait3A_83 = tpu.memref_squeeze %dma_wait3A_82 : memref<1x128xi32, #tpu.memory_space<vmem>> -> memref<128xi32, #tpu.memory_space<vmem>>
      %dma_wait3A_84 = arith.constant 0 : i32
      %dma_wait3A_85 = arith.constant 0 : i32
      %dma_wait3A_86 = tpu.memref_slice %arg11[%dma_wait3A_84, %dma_wait3A_85] : memref<10240x128xf32, #tpu.memory_space<vmem_shared>> -> memref<10240x128xf32, #tpu.memory_space<vmem_shared>>
      tpu.wait_indirect_dma semaphore(%run_scoped3A_74 : memref<!tpu.dma_semaphore, #tpu.memory_space<semaphore_mem>>) src(%arg9 : memref<128x128xf32, #tpu.memory_space<vmem>>) dst(%dma_wait3A_86 : memref<10240x128xf32, #tpu.memory_space<vmem_shared>>)
      tpu.yield
    }) : () -> ()
    %dma_wait3A_31 = arith.constant 0 : i32
    %dma_wait3A_32 = arith.constant 0 : i32
    %dma_wait3A_33 = tpu.memref_slice %arg4[%dma_wait3A_31, %dma_wait3A_32] : memref<10000x128xf32, #tpu.memory_space<hbm>> -> memref<128x128xf32, #tpu.memory_space<hbm>>
    %dma_wait3A_34 = arith.constant 0 : i32
    %dma_wait3A_35 = arith.constant 0 : i32
    %dma_wait3A_36 = tpu.memref_slice %arg4[%dma_wait3A_34, %dma_wait3A_35] : memref<10000x128xf32, #tpu.memory_space<hbm>> -> memref<128x128xf32, #tpu.memory_space<hbm>>
    tpu.wait_dma2 semaphore(%arg13 : memref<!tpu.dma_semaphore, #tpu.memory_space<semaphore_mem>>) src(%dma_wait3A_36 : memref<128x128xf32, #tpu.memory_space<hbm>>) dst(%arg10 : memref<128x128xf32, #tpu.memory_space<vmem>>)
    %run_scoped3A_37 = arith.constant 39 : i32
    "tpu.region"() ({
      %run_scoped3A_74 = tpu.sem_alloc : memref<!tpu.dma_semaphore, #tpu.memory_space<semaphore_mem>>
      %dma_start3A_75 = arith.constant 0 : i32
      %dma_start3A_76 = tpu.memref_slice %arg8[%run_scoped3A_37, %dma_start3A_75] : memref<40x128xi32, #tpu.memory_space<vmem>> -> memref<1x128xi32, #tpu.memory_space<vmem>>
      %dma_start3A_77 = tpu.memref_squeeze %dma_start3A_76 : memref<1x128xi32, #tpu.memory_space<vmem>> -> memref<128xi32, #tpu.memory_space<vmem>>
      %dma_start3A_78 = arith.constant 0 : i32
      %dma_start3A_79 = arith.constant 0 : i32
      %dma_start3A_80 = tpu.memref_slice %arg11[%dma_start3A_78, %dma_start3A_79] : memref<10240x128xf32, #tpu.memory_space<vmem_shared>> -> memref<10240x128xf32, #tpu.memory_space<vmem_shared>>
      tpu.enqueue_indirect_dma source(%arg10 : memref<128x128xf32, #tpu.memory_space<vmem>>) target(%dma_start3A_80 : memref<10240x128xf32, #tpu.memory_space<vmem_shared>>) offsets(%dma_start3A_77 : memref<128xi32, #tpu.memory_space<vmem>>) semaphore(%run_scoped3A_74 : memref<!tpu.dma_semaphore, #tpu.memory_space<semaphore_mem>>) {add = true}
      %dma_wait3A_81 = arith.constant 0 : i32
      %dma_wait3A_82 = tpu.memref_slice %arg8[%run_scoped3A_37, %dma_wait3A_81] : memref<40x128xi32, #tpu.memory_space<vmem>> -> memref<1x128xi32, #tpu.memory_space<vmem>>
      %dma_wait3A_83 = tpu.memref_squeeze %dma_wait3A_82 : memref<1x128xi32, #tpu.memory_space<vmem>> -> memref<128xi32, #tpu.memory_space<vmem>>
      %dma_wait3A_84 = arith.constant 0 : i32
      %dma_wait3A_85 = arith.constant 0 : i32
      %dma_wait3A_86 = tpu.memref_slice %arg11[%dma_wait3A_84, %dma_wait3A_85] : memref<10240x128xf32, #tpu.memory_space<vmem_shared>> -> memref<10240x128xf32, #tpu.memory_space<vmem_shared>>
      tpu.wait_indirect_dma semaphore(%run_scoped3A_74 : memref<!tpu.dma_semaphore, #tpu.memory_space<semaphore_mem>>) src(%arg10 : memref<128x128xf32, #tpu.memory_space<vmem>>) dst(%dma_wait3A_86 : memref<10240x128xf32, #tpu.memory_space<vmem_shared>>)
      tpu.yield
    }) : () -> ()
    "tpu.region"() ({
      %run_scoped3A_74 = tpu.sem_alloc : memref<!tpu.dma_semaphore, #tpu.memory_space<semaphore_mem>>
      %dma_start3A_75 = arith.constant 40 : i32
      %dma_start3A_76 = arith.constant 0 : i32
      %dma_start3A_77 = tpu.memref_slice %arg2[%add3A, %dma_start3A_75, %dma_start3A_76] : memref<32x80x128xi32, #tpu.memory_space<hbm>> -> memref<1x40x128xi32, #tpu.memory_space<hbm>>
      %dma_start3A_78 = tpu.memref_squeeze %dma_start3A_77 : memref<1x40x128xi32, #tpu.memory_space<hbm>> -> memref<40x128xi32, #tpu.memory_space<hbm>>
      %dma_start3A_79 = arith.constant 40 : i32
      %dma_start3A_80 = arith.constant 0 : i32
      %dma_start3A_81 = tpu.memref_slice %arg2[%add3A, %dma_start3A_79, %dma_start3A_80] : memref<32x80x128xi32, #tpu.memory_space<hbm>> -> memref<1x40x128xi32, #tpu.memory_space<hbm>>
      %dma_start3A_82 = tpu.memref_squeeze %dma_start3A_81 : memref<1x40x128xi32, #tpu.memory_space<hbm>> -> memref<40x128xi32, #tpu.memory_space<hbm>>
      tpu.enqueue_dma source(%dma_start3A_82 : memref<40x128xi32, #tpu.memory_space<hbm>>) target(%arg7 : memref<40x128xi32, #tpu.memory_space<vmem>>) target_semaphore(%run_scoped3A_74 : memref<!tpu.dma_semaphore, #tpu.memory_space<semaphore_mem>>)
      %dma_wait3A_83 = arith.constant 40 : i32
      %dma_wait3A_84 = arith.constant 0 : i32
      %dma_wait3A_85 = tpu.memref_slice %arg2[%add3A, %dma_wait3A_83, %dma_wait3A_84] : memref<32x80x128xi32, #tpu.memory_space<hbm>> -> memref<1x40x128xi32, #tpu.memory_space<hbm>>
      %dma_wait3A_86 = tpu.memref_squeeze %dma_wait3A_85 : memref<1x40x128xi32, #tpu.memory_space<hbm>> -> memref<40x128xi32, #tpu.memory_space<hbm>>
      %dma_wait3A_87 = arith.constant 40 : i32
      %dma_wait3A_88 = arith.constant 0 : i32
      %dma_wait3A_89 = tpu.memref_slice %arg2[%add3A, %dma_wait3A_87, %dma_wait3A_88] : memref<32x80x128xi32, #tpu.memory_space<hbm>> -> memref<1x40x128xi32, #tpu.memory_space<hbm>>
      %dma_wait3A_90 = tpu.memref_squeeze %dma_wait3A_89 : memref<1x40x128xi32, #tpu.memory_space<hbm>> -> memref<40x128xi32, #tpu.memory_space<hbm>>
      tpu.wait_dma2 semaphore(%run_scoped3A_74 : memref<!tpu.dma_semaphore, #tpu.memory_space<semaphore_mem>>) src(%dma_wait3A_90 : memref<40x128xi32, #tpu.memory_space<hbm>>) dst(%arg7 : memref<40x128xi32, #tpu.memory_space<vmem>>)
      tpu.yield
    }) : () -> ()
    "tpu.region"() ({
      %run_scoped3A_74 = tpu.sem_alloc : memref<!tpu.dma_semaphore, #tpu.memory_space<semaphore_mem>>
      %dma_start3A_75 = arith.constant 40 : i32
      %dma_start3A_76 = arith.constant 0 : i32
      %dma_start3A_77 = tpu.memref_slice %arg3[%add3A, %dma_start3A_75, %dma_start3A_76] : memref<32x80x128xi32, #tpu.memory_space<hbm>> -> memref<1x40x128xi32, #tpu.memory_space<hbm>>
      %dma_start3A_78 = tpu.memref_squeeze %dma_start3A_77 : memref<1x40x128xi32, #tpu.memory_space<hbm>> -> memref<40x128xi32, #tpu.memory_space<hbm>>
      %dma_start3A_79 = arith.constant 40 : i32
      %dma_start3A_80 = arith.constant 0 : i32
      %dma_start3A_81 = tpu.memref_slice %arg3[%add3A, %dma_start3A_79, %dma_start3A_80] : memref<32x80x128xi32, #tpu.memory_space<hbm>> -> memref<1x40x128xi32, #tpu.memory_space<hbm>>
      %dma_start3A_82 = tpu.memref_squeeze %dma_start3A_81 : memref<1x40x128xi32, #tpu.memory_space<hbm>> -> memref<40x128xi32, #tpu.memory_space<hbm>>
      tpu.enqueue_dma source(%dma_start3A_82 : memref<40x128xi32, #tpu.memory_space<hbm>>) target(%arg8 : memref<40x128xi32, #tpu.memory_space<vmem>>) target_semaphore(%run_scoped3A_74 : memref<!tpu.dma_semaphore, #tpu.memory_space<semaphore_mem>>)
      %dma_wait3A_83 = arith.constant 40 : i32
      %dma_wait3A_84 = arith.constant 0 : i32
      %dma_wait3A_85 = tpu.memref_slice %arg3[%add3A, %dma_wait3A_83, %dma_wait3A_84] : memref<32x80x128xi32, #tpu.memory_space<hbm>> -> memref<1x40x128xi32, #tpu.memory_space<hbm>>
      %dma_wait3A_86 = tpu.memref_squeeze %dma_wait3A_85 : memref<1x40x128xi32, #tpu.memory_space<hbm>> -> memref<40x128xi32, #tpu.memory_space<hbm>>
      %dma_wait3A_87 = arith.constant 40 : i32
      %dma_wait3A_88 = arith.constant 0 : i32
      %dma_wait3A_89 = tpu.memref_slice %arg3[%add3A, %dma_wait3A_87, %dma_wait3A_88] : memref<32x80x128xi32, #tpu.memory_space<hbm>> -> memref<1x40x128xi32, #tpu.memory_space<hbm>>
      %dma_wait3A_90 = tpu.memref_squeeze %dma_wait3A_89 : memref<1x40x128xi32, #tpu.memory_space<hbm>> -> memref<40x128xi32, #tpu.memory_space<hbm>>
      tpu.wait_dma2 semaphore(%run_scoped3A_74 : memref<!tpu.dma_semaphore, #tpu.memory_space<semaphore_mem>>) src(%dma_wait3A_90 : memref<40x128xi32, #tpu.memory_space<hbm>>) dst(%arg8 : memref<40x128xi32, #tpu.memory_space<vmem>>)
      tpu.yield
    }) : () -> ()
    %dma_start3A_38 = arith.constant 0 : i32
    %dma_start3A_39 = arith.constant 0 : i32
    %dma_start3A_40 = tpu.memref_slice %arg7[%dma_start3A_38, %dma_start3A_39] : memref<40x128xi32, #tpu.memory_space<vmem>> -> memref<1x128xi32, #tpu.memory_space<vmem>>
    %dma_start3A_41 = tpu.memref_squeeze %dma_start3A_40 : memref<1x128xi32, #tpu.memory_space<vmem>> -> memref<128xi32, #tpu.memory_space<vmem>>
    %dma_start3A_42 = arith.constant 0 : i32
    %dma_start3A_43 = arith.constant 0 : i32
    %dma_start3A_44 = tpu.memref_slice %arg4[%dma_start3A_42, %dma_start3A_43] : memref<10000x128xf32, #tpu.memory_space<hbm>> -> memref<10000x128xf32, #tpu.memory_space<hbm>>
    tpu.enqueue_indirect_dma source(%dma_start3A_44 : memref<10000x128xf32, #tpu.memory_space<hbm>>) target(%arg9 : memref<128x128xf32, #tpu.memory_space<vmem>>) offsets(%dma_start3A_41 : memref<128xi32, #tpu.memory_space<vmem>>) semaphore(%arg12 : memref<!tpu.dma_semaphore, #tpu.memory_space<semaphore_mem>>)
    %dma_start3A_45 = arith.constant 1 : i32
    %dma_start3A_46 = arith.constant 0 : i32
    %dma_start3A_47 = tpu.memref_slice %arg7[%dma_start3A_45, %dma_start3A_46] : memref<40x128xi32, #tpu.memory_space<vmem>> -> memref<1x128xi32, #tpu.memory_space<vmem>>
    %dma_start3A_48 = tpu.memref_squeeze %dma_start3A_47 : memref<1x128xi32, #tpu.memory_space<vmem>> -> memref<128xi32, #tpu.memory_space<vmem>>
    %dma_start3A_49 = arith.constant 0 : i32
    %dma_start3A_50 = arith.constant 0 : i32
    %dma_start3A_51 = tpu.memref_slice %arg4[%dma_start3A_49, %dma_start3A_50] : memref<10000x128xf32, #tpu.memory_space<hbm>> -> memref<10000x128xf32, #tpu.memory_space<hbm>>
    tpu.enqueue_indirect_dma source(%dma_start3A_51 : memref<10000x128xf32, #tpu.memory_space<hbm>>) target(%arg10 : memref<128x128xf32, #tpu.memory_space<vmem>>) offsets(%dma_start3A_48 : memref<128xi32, #tpu.memory_space<vmem>>) semaphore(%arg13 : memref<!tpu.dma_semaphore, #tpu.memory_space<semaphore_mem>>)
    %scan3A_52 = arith.constant 0 : i32
    %scan3A_53 = arith.constant 0 : i32
    %scan3A_54 = arith.constant 19 : i32
    %scan3A_55 = arith.addi %scan3A_53, %scan3A_54 : i32
    %scan3A_56 = arith.constant 1 : i32
    %scan3A_57 = scf.for %scan3A_74 = %scan3A_53 to %scan3A_55 step %scan3A_56 iter_args(%scan3A_75 = %scan3A_52) -> (i32)  : i32 {
      %dma_wait3A_76 = arith.constant 0 : i32
      %dma_wait3A_77 = arith.constant 0 : i32
      %dma_wait3A_78 = tpu.memref_slice %arg4[%dma_wait3A_76, %dma_wait3A_77] : memref<10000x128xf32, #tpu.memory_space<hbm>> -> memref<128x128xf32, #tpu.memory_space<hbm>>
      %dma_wait3A_79 = arith.constant 0 : i32
      %dma_wait3A_80 = arith.constant 0 : i32
      %dma_wait3A_81 = tpu.memref_slice %arg4[%dma_wait3A_79, %dma_wait3A_80] : memref<10000x128xf32, #tpu.memory_space<hbm>> -> memref<128x128xf32, #tpu.memory_space<hbm>>
      tpu.wait_dma2 semaphore(%arg12 : memref<!tpu.dma_semaphore, #tpu.memory_space<semaphore_mem>>) src(%dma_wait3A_81 : memref<128x128xf32, #tpu.memory_space<hbm>>) dst(%arg9 : memref<128x128xf32, #tpu.memory_space<vmem>>)
      %mul3A_82 = arith.constant 2 : i32
      %mul3A_83 = arith.muli %mul3A_82, %scan3A_74 : i32
      "tpu.region"() ({
        %run_scoped3A_115 = tpu.sem_alloc : memref<!tpu.dma_semaphore, #tpu.memory_space<semaphore_mem>>
        %dma_start3A_116 = arith.constant 0 : i32
        %dma_start3A_117 = tpu.memref_slice %arg8[%mul3A_83, %dma_start3A_116] : memref<40x128xi32, #tpu.memory_space<vmem>> -> memref<1x128xi32, #tpu.memory_space<vmem>>
        %dma_start3A_118 = tpu.memref_squeeze %dma_start3A_117 : memref<1x128xi32, #tpu.memory_space<vmem>> -> memref<128xi32, #tpu.memory_space<vmem>>
        %dma_start3A_119 = arith.constant 0 : i32
        %dma_start3A_120 = arith.constant 0 : i32
        %dma_start3A_121 = tpu.memref_slice %arg11[%dma_start3A_119, %dma_start3A_120] : memref<10240x128xf32, #tpu.memory_space<vmem_shared>> -> memref<10240x128xf32, #tpu.memory_space<vmem_shared>>
        tpu.enqueue_indirect_dma source(%arg9 : memref<128x128xf32, #tpu.memory_space<vmem>>) target(%dma_start3A_121 : memref<10240x128xf32, #tpu.memory_space<vmem_shared>>) offsets(%dma_start3A_118 : memref<128xi32, #tpu.memory_space<vmem>>) semaphore(%run_scoped3A_115 : memref<!tpu.dma_semaphore, #tpu.memory_space<semaphore_mem>>) {add = true}
        %dma_wait3A_122 = arith.constant 0 : i32
        %dma_wait3A_123 = tpu.memref_slice %arg8[%mul3A_83, %dma_wait3A_122] : memref<40x128xi32, #tpu.memory_space<vmem>> -> memref<1x128xi32, #tpu.memory_space<vmem>>
        %dma_wait3A_124 = tpu.memref_squeeze %dma_wait3A_123 : memref<1x128xi32, #tpu.memory_space<vmem>> -> memref<128xi32, #tpu.memory_space<vmem>>
        %dma_wait3A_125 = arith.constant 0 : i32
        %dma_wait3A_126 = arith.constant 0 : i32
        %dma_wait3A_127 = tpu.memref_slice %arg11[%dma_wait3A_125, %dma_wait3A_126] : memref<10240x128xf32, #tpu.memory_space<vmem_shared>> -> memref<10240x128xf32, #tpu.memory_space<vmem_shared>>
        tpu.wait_indirect_dma semaphore(%run_scoped3A_115 : memref<!tpu.dma_semaphore, #tpu.memory_space<semaphore_mem>>) src(%arg9 : memref<128x128xf32, #tpu.memory_space<vmem>>) dst(%dma_wait3A_127 : memref<10240x128xf32, #tpu.memory_space<vmem_shared>>)
        tpu.yield
      }) : () -> ()
      %mul3A_84 = arith.constant 2 : i32
      %mul3A_85 = arith.muli %mul3A_84, %scan3A_74 : i32
      %add3A_86 = arith.constant 2 : i32
      %add3A_87 = arith.addi %mul3A_85, %add3A_86 : i32
      %dma_start3A_88 = arith.constant 0 : i32
      %dma_start3A_89 = tpu.memref_slice %arg7[%add3A_87, %dma_start3A_88] : memref<40x128xi32, #tpu.memory_space<vmem>> -> memref<1x128xi32, #tpu.memory_space<vmem>>
      %dma_start3A_90 = tpu.memref_squeeze %dma_start3A_89 : memref<1x128xi32, #tpu.memory_space<vmem>> -> memref<128xi32, #tpu.memory_space<vmem>>
      %dma_start3A_91 = arith.constant 0 : i32
      %dma_start3A_92 = arith.constant 0 : i32
      %dma_start3A_93 = tpu.memref_slice %arg4[%dma_start3A_91, %dma_start3A_92] : memref<10000x128xf32, #tpu.memory_space<hbm>> -> memref<10000x128xf32, #tpu.memory_space<hbm>>
      tpu.enqueue_indirect_dma source(%dma_start3A_93 : memref<10000x128xf32, #tpu.memory_space<hbm>>) target(%arg9 : memref<128x128xf32, #tpu.memory_space<vmem>>) offsets(%dma_start3A_90 : memref<128xi32, #tpu.memory_space<vmem>>) semaphore(%arg12 : memref<!tpu.dma_semaphore, #tpu.memory_space<semaphore_mem>>)
      %dma_wait3A_94 = arith.constant 0 : i32
      %dma_wait3A_95 = arith.constant 0 : i32
      %dma_wait3A_96 = tpu.memref_slice %arg4[%dma_wait3A_94, %dma_wait3A_95] : memref<10000x128xf32, #tpu.memory_space<hbm>> -> memref<128x128xf32, #tpu.memory_space<hbm>>
      %dma_wait3A_97 = arith.constant 0 : i32
      %dma_wait3A_98 = arith.constant 0 : i32
      %dma_wait3A_99 = tpu.memref_slice %arg4[%dma_wait3A_97, %dma_wait3A_98] : memref<10000x128xf32, #tpu.memory_space<hbm>> -> memref<128x128xf32, #tpu.memory_space<hbm>>
      tpu.wait_dma2 semaphore(%arg13 : memref<!tpu.dma_semaphore, #tpu.memory_space<semaphore_mem>>) src(%dma_wait3A_99 : memref<128x128xf32, #tpu.memory_space<hbm>>) dst(%arg10 : memref<128x128xf32, #tpu.memory_space<vmem>>)
      %mul3A_100 = arith.constant 2 : i32
      %mul3A_101 = arith.muli %mul3A_100, %scan3A_74 : i32
      %add3A_102 = arith.constant 1 : i32
      %add3A_103 = arith.addi %mul3A_101, %add3A_102 : i32
      "tpu.region"() ({
        %run_scoped3A_115 = tpu.sem_alloc : memref<!tpu.dma_semaphore, #tpu.memory_space<semaphore_mem>>
        %dma_start3A_116 = arith.constant 0 : i32
        %dma_start3A_117 = tpu.memref_slice %arg8[%add3A_103, %dma_start3A_116] : memref<40x128xi32, #tpu.memory_space<vmem>> -> memref<1x128xi32, #tpu.memory_space<vmem>>
        %dma_start3A_118 = tpu.memref_squeeze %dma_start3A_117 : memref<1x128xi32, #tpu.memory_space<vmem>> -> memref<128xi32, #tpu.memory_space<vmem>>
        %dma_start3A_119 = arith.constant 0 : i32
        %dma_start3A_120 = arith.constant 0 : i32
        %dma_start3A_121 = tpu.memref_slice %arg11[%dma_start3A_119, %dma_start3A_120] : memref<10240x128xf32, #tpu.memory_space<vmem_shared>> -> memref<10240x128xf32, #tpu.memory_space<vmem_shared>>
        tpu.enqueue_indirect_dma source(%arg10 : memref<128x128xf32, #tpu.memory_space<vmem>>) target(%dma_start3A_121 : memref<10240x128xf32, #tpu.memory_space<vmem_shared>>) offsets(%dma_start3A_118 : memref<128xi32, #tpu.memory_space<vmem>>) semaphore(%run_scoped3A_115 : memref<!tpu.dma_semaphore, #tpu.memory_space<semaphore_mem>>) {add = true}
        %dma_wait3A_122 = arith.constant 0 : i32
        %dma_wait3A_123 = tpu.memref_slice %arg8[%add3A_103, %dma_wait3A_122] : memref<40x128xi32, #tpu.memory_space<vmem>> -> memref<1x128xi32, #tpu.memory_space<vmem>>
        %dma_wait3A_124 = tpu.memref_squeeze %dma_wait3A_123 : memref<1x128xi32, #tpu.memory_space<vmem>> -> memref<128xi32, #tpu.memory_space<vmem>>
        %dma_wait3A_125 = arith.constant 0 : i32
        %dma_wait3A_126 = arith.constant 0 : i32
        %dma_wait3A_127 = tpu.memref_slice %arg11[%dma_wait3A_125, %dma_wait3A_126] : memref<10240x128xf32, #tpu.memory_space<vmem_shared>> -> memref<10240x128xf32, #tpu.memory_space<vmem_shared>>
        tpu.wait_indirect_dma semaphore(%run_scoped3A_115 : memref<!tpu.dma_semaphore, #tpu.memory_space<semaphore_mem>>) src(%arg10 : memref<128x128xf32, #tpu.memory_space<vmem>>) dst(%dma_wait3A_127 : memref<10240x128xf32, #tpu.memory_space<vmem_shared>>)
        tpu.yield
      }) : () -> ()
      %mul3A_104 = arith.constant 2 : i32
      %mul3A_105 = arith.muli %mul3A_104, %scan3A_74 : i32
      %add3A_106 = arith.constant 3 : i32
      %add3A_107 = arith.addi %mul3A_105, %add3A_106 : i32
      %dma_start3A_108 = arith.constant 0 : i32
      %dma_start3A_109 = tpu.memref_slice %arg7[%add3A_107, %dma_start3A_108] : memref<40x128xi32, #tpu.memory_space<vmem>> -> memref<1x128xi32, #tpu.memory_space<vmem>>
      %dma_start3A_110 = tpu.memref_squeeze %dma_start3A_109 : memref<1x128xi32, #tpu.memory_space<vmem>> -> memref<128xi32, #tpu.memory_space<vmem>>
      %dma_start3A_111 = arith.constant 0 : i32
      %dma_start3A_112 = arith.constant 0 : i32
      %dma_start3A_113 = tpu.memref_slice %arg4[%dma_start3A_111, %dma_start3A_112] : memref<10000x128xf32, #tpu.memory_space<hbm>> -> memref<10000x128xf32, #tpu.memory_space<hbm>>
      tpu.enqueue_indirect_dma source(%dma_start3A_113 : memref<10000x128xf32, #tpu.memory_space<hbm>>) target(%arg10 : memref<128x128xf32, #tpu.memory_space<vmem>>) offsets(%dma_start3A_110 : memref<128xi32, #tpu.memory_space<vmem>>) semaphore(%arg13 : memref<!tpu.dma_semaphore, #tpu.memory_space<semaphore_mem>>)
      %scan3A_114 = arith.constant 0 : i32
      scf.yield %scan3A_114 : i32
    }
    %scan3A_58 = arith.constant 19 : i32
    %dma_wait3A_59 = arith.constant 0 : i32
    %dma_wait3A_60 = arith.constant 0 : i32
    %dma_wait3A_61 = tpu.memref_slice %arg4[%dma_wait3A_59, %dma_wait3A_60] : memref<10000x128xf32, #tpu.memory_space<hbm>> -> memref<128x128xf32, #tpu.memory_space<hbm>>
    %dma_wait3A_62 = arith.constant 0 : i32
    %dma_wait3A_63 = arith.constant 0 : i32
    %dma_wait3A_64 = tpu.memref_slice %arg4[%dma_wait3A_62, %dma_wait3A_63] : memref<10000x128xf32, #tpu.memory_space<hbm>> -> memref<128x128xf32, #tpu.memory_space<hbm>>
    tpu.wait_dma2 semaphore(%arg12 : memref<!tpu.dma_semaphore, #tpu.memory_space<semaphore_mem>>) src(%dma_wait3A_64 : memref<128x128xf32, #tpu.memory_space<hbm>>) dst(%arg9 : memref<128x128xf32, #tpu.memory_space<vmem>>)
    %run_scoped3A_65 = arith.constant 38 : i32
    "tpu.region"() ({
      %run_scoped3A_74 = tpu.sem_alloc : memref<!tpu.dma_semaphore, #tpu.memory_space<semaphore_mem>>
      %dma_start3A_75 = arith.constant 0 : i32
      %dma_start3A_76 = tpu.memref_slice %arg8[%run_scoped3A_65, %dma_start3A_75] : memref<40x128xi32, #tpu.memory_space<vmem>> -> memref<1x128xi32, #tpu.memory_space<vmem>>
      %dma_start3A_77 = tpu.memref_squeeze %dma_start3A_76 : memref<1x128xi32, #tpu.memory_space<vmem>> -> memref<128xi32, #tpu.memory_space<vmem>>
      %dma_start3A_78 = arith.constant 0 : i32
      %dma_start3A_79 = arith.constant 0 : i32
      %dma_start3A_80 = tpu.memref_slice %arg11[%dma_start3A_78, %dma_start3A_79] : memref<10240x128xf32, #tpu.memory_space<vmem_shared>> -> memref<10240x128xf32, #tpu.memory_space<vmem_shared>>
      tpu.enqueue_indirect_dma source(%arg9 : memref<128x128xf32, #tpu.memory_space<vmem>>) target(%dma_start3A_80 : memref<10240x128xf32, #tpu.memory_space<vmem_shared>>) offsets(%dma_start3A_77 : memref<128xi32, #tpu.memory_space<vmem>>) semaphore(%run_scoped3A_74 : memref<!tpu.dma_semaphore, #tpu.memory_space<semaphore_mem>>) {add = true}
      %dma_wait3A_81 = arith.constant 0 : i32
      %dma_wait3A_82 = tpu.memref_slice %arg8[%run_scoped3A_65, %dma_wait3A_81] : memref<40x128xi32, #tpu.memory_space<vmem>> -> memref<1x128xi32, #tpu.memory_space<vmem>>
      %dma_wait3A_83 = tpu.memref_squeeze %dma_wait3A_82 : memref<1x128xi32, #tpu.memory_space<vmem>> -> memref<128xi32, #tpu.memory_space<vmem>>
      %dma_wait3A_84 = arith.constant 0 : i32
      %dma_wait3A_85 = arith.constant 0 : i32
      %dma_wait3A_86 = tpu.memref_slice %arg11[%dma_wait3A_84, %dma_wait3A_85] : memref<10240x128xf32, #tpu.memory_space<vmem_shared>> -> memref<10240x128xf32, #tpu.memory_space<vmem_shared>>
      tpu.wait_indirect_dma semaphore(%run_scoped3A_74 : memref<!tpu.dma_semaphore, #tpu.memory_space<semaphore_mem>>) src(%arg9 : memref<128x128xf32, #tpu.memory_space<vmem>>) dst(%dma_wait3A_86 : memref<10240x128xf32, #tpu.memory_space<vmem_shared>>)
      tpu.yield
    }) : () -> ()
    %dma_wait3A_66 = arith.constant 0 : i32
    %dma_wait3A_67 = arith.constant 0 : i32
    %dma_wait3A_68 = tpu.memref_slice %arg4[%dma_wait3A_66, %dma_wait3A_67] : memref<10000x128xf32, #tpu.memory_space<hbm>> -> memref<128x128xf32, #tpu.memory_space<hbm>>
    %dma_wait3A_69 = arith.constant 0 : i32
    %dma_wait3A_70 = arith.constant 0 : i32
    %dma_wait3A_71 = tpu.memref_slice %arg4[%dma_wait3A_69, %dma_wait3A_70] : memref<10000x128xf32, #tpu.memory_space<hbm>> -> memref<128x128xf32, #tpu.memory_space<hbm>>
    tpu.wait_dma2 semaphore(%arg13 : memref<!tpu.dma_semaphore, #tpu.memory_space<semaphore_mem>>) src(%dma_wait3A_71 : memref<128x128xf32, #tpu.memory_space<hbm>>) dst(%arg10 : memref<128x128xf32, #tpu.memory_space<vmem>>)
    %run_scoped3A_72 = arith.constant 39 : i32
    "tpu.region"() ({
      %run_scoped3A_74 = tpu.sem_alloc : memref<!tpu.dma_semaphore, #tpu.memory_space<semaphore_mem>>
      %dma_start3A_75 = arith.constant 0 : i32
      %dma_start3A_76 = tpu.memref_slice %arg8[%run_scoped3A_72, %dma_start3A_75] : memref<40x128xi32, #tpu.memory_space<vmem>> -> memref<1x128xi32, #tpu.memory_space<vmem>>
      %dma_start3A_77 = tpu.memref_squeeze %dma_start3A_76 : memref<1x128xi32, #tpu.memory_space<vmem>> -> memref<128xi32, #tpu.memory_space<vmem>>
      %dma_start3A_78 = arith.constant 0 : i32
      %dma_start3A_79 = arith.constant 0 : i32
      %dma_start3A_80 = tpu.memref_slice %arg11[%dma_start3A_78, %dma_start3A_79] : memref<10240x128xf32, #tpu.memory_space<vmem_shared>> -> memref<10240x128xf32, #tpu.memory_space<vmem_shared>>
      tpu.enqueue_indirect_dma source(%arg10 : memref<128x128xf32, #tpu.memory_space<vmem>>) target(%dma_start3A_80 : memref<10240x128xf32, #tpu.memory_space<vmem_shared>>) offsets(%dma_start3A_77 : memref<128xi32, #tpu.memory_space<vmem>>) semaphore(%run_scoped3A_74 : memref<!tpu.dma_semaphore, #tpu.memory_space<semaphore_mem>>) {add = true}
      %dma_wait3A_81 = arith.constant 0 : i32
      %dma_wait3A_82 = tpu.memref_slice %arg8[%run_scoped3A_72, %dma_wait3A_81] : memref<40x128xi32, #tpu.memory_space<vmem>> -> memref<1x128xi32, #tpu.memory_space<vmem>>
      %dma_wait3A_83 = tpu.memref_squeeze %dma_wait3A_82 : memref<1x128xi32, #tpu.memory_space<vmem>> -> memref<128xi32, #tpu.memory_space<vmem>>
      %dma_wait3A_84 = arith.constant 0 : i32
      %dma_wait3A_85 = arith.constant 0 : i32
      %dma_wait3A_86 = tpu.memref_slice %arg11[%dma_wait3A_84, %dma_wait3A_85] : memref<10240x128xf32, #tpu.memory_space<vmem_shared>> -> memref<10240x128xf32, #tpu.memory_space<vmem_shared>>
      tpu.wait_indirect_dma semaphore(%run_scoped3A_74 : memref<!tpu.dma_semaphore, #tpu.memory_space<semaphore_mem>>) src(%arg10 : memref<128x128xf32, #tpu.memory_space<vmem>>) dst(%dma_wait3A_86 : memref<10240x128xf32, #tpu.memory_space<vmem_shared>>)
      tpu.yield
    }) : () -> ()
    %barrier3A_73 = arith.constant 0 : index
    tpu.barrier barrier_id(%barrier3A_73)
    "tpu.region"() ({
      %run_scoped3A_74 = tpu.sem_alloc : memref<!tpu.dma_semaphore, #tpu.memory_space<semaphore_mem>>
      %dma_start3A_75 = arith.constant 0 : i32
      %dma_start3A_76 = tpu.memref_slice %arg6[%arg0, %mul3A_2, %dma_start3A_75] : memref<2x10240x128xf32, #tpu.memory_space<hbm>> -> memref<1x640x128xf32, #tpu.memory_space<hbm>>
      %dma_start3A_77 = tpu.memref_squeeze %dma_start3A_76 : memref<1x640x128xf32, #tpu.memory_space<hbm>> -> memref<640x128xf32, #tpu.memory_space<hbm>>
      %dma_start3A_78 = arith.constant 0 : i32
      %dma_start3A_79 = tpu.memref_slice %arg11[%mul3A_2, %dma_start3A_78] : memref<10240x128xf32, #tpu.memory_space<vmem_shared>> -> memref<640x128xf32, #tpu.memory_space<vmem_shared>>
      tpu.enqueue_dma source(%dma_start3A_79 : memref<640x128xf32, #tpu.memory_space<vmem_shared>>) target(%dma_start3A_77 : memref<640x128xf32, #tpu.memory_space<hbm>>) target_semaphore(%run_scoped3A_74 : memref<!tpu.dma_semaphore, #tpu.memory_space<semaphore_mem>>)
      %dma_wait3A_80 = arith.constant 0 : i32
      %dma_wait3A_81 = tpu.memref_slice %arg6[%arg0, %mul3A_2, %dma_wait3A_80] : memref<2x10240x128xf32, #tpu.memory_space<hbm>> -> memref<1x640x128xf32, #tpu.memory_space<hbm>>
      %dma_wait3A_82 = tpu.memref_squeeze %dma_wait3A_81 : memref<1x640x128xf32, #tpu.memory_space<hbm>> -> memref<640x128xf32, #tpu.memory_space<hbm>>
      %dma_wait3A_83 = arith.constant 0 : i32
      %dma_wait3A_84 = tpu.memref_slice %arg11[%mul3A_2, %dma_wait3A_83] : memref<10240x128xf32, #tpu.memory_space<vmem_shared>> -> memref<640x128xf32, #tpu.memory_space<vmem_shared>>
      tpu.wait_dma2 semaphore(%run_scoped3A_74 : memref<!tpu.dma_semaphore, #tpu.memory_space<semaphore_mem>>) src(%dma_wait3A_84 : memref<640x128xf32, #tpu.memory_space<vmem_shared>>) dst(%dma_wait3A_82 : memref<640x128xf32, #tpu.memory_space<hbm>>)
      tpu.yield
    }) : () -> ()
    return
  }
}

module attributes {stable_mosaic.version = 14 : i64} {
  func.func @_prep_body(%arg0: memref<10000x2xf32, #tpu.memory_space<vmem>>, %arg1: memref<10000x128xf32, #tpu.memory_space<vmem>>, %arg2: memref<128x5xf32, #tpu.memory_space<vmem>>, %arg3: memref<10000x128xf32, #tpu.memory_space<vmem>>, %arg4: memref<10000x1xf32, #tpu.memory_space<vmem>>, %arg5: memref<10000x5xf32, #tpu.memory_space<vmem>>, %arg6: memref<1x1xf32, #tpu.memory_space<vmem>>) attributes {dimension_semantics = [], scalar_prefetch = 0 : i64, scratch_operands = 0 : i64, tpu.core_type = #tpu.core_type<tc>} {
    %get3A = arith.constant 0 : index
    %get3A_0 = arith.constant 0 : index
    %get3A_1 = vector.load %arg0[%get3A, %get3A_0] : memref<10000x2xf32, #tpu.memory_space<vmem>>, vector<10000x1xf32>
    %get3A_2 = arith.constant 0 : index
    %get3A_3 = arith.constant 1 : index
    %get3A_4 = vector.load %arg0[%get3A_2, %get3A_3] : memref<10000x2xf32, #tpu.memory_space<vmem>>, vector<10000x1xf32>
    %add3A = arith.addf %get3A_1, %get3A_4 : vector<10000x1xf32>
    %max3A = arith.constant 1.000000e+00 : f32
    %max3A_5 = vector.broadcast %max3A : f32 to vector<10000x1xf32>
    %max3A_6 = arith.maximumf %add3A, %max3A_5 : vector<10000x1xf32>
    %rsqrt3A = math.rsqrt %max3A_6 : vector<10000x1xf32>
    %get3A_7 = arith.constant 0 : index
    %get3A_8 = arith.constant 0 : index
    %get3A_9 = vector.load %arg1[%get3A_7, %get3A_8] : memref<10000x128xf32, #tpu.memory_space<vmem>>, vector<10000x128xf32>
    %mul3A = vector.broadcast %rsqrt3A : vector<10000x1xf32> to vector<10000x128xf32>
    %mul3A_10 = arith.mulf %mul3A, %get3A_9 : vector<10000x128xf32>
    %swap3A = arith.constant 0 : index
    %swap3A_11 = arith.constant 0 : index
    %swap3A_12 = vector.load %arg3[%swap3A, %swap3A_11] : memref<10000x128xf32, #tpu.memory_space<vmem>>, vector<10000x128xf32>
    tpu.vector_store %arg3[%swap3A, %swap3A_11], %mul3A_10 {strides = array<i32>} : memref<10000x128xf32, #tpu.memory_space<vmem>>, vector<10000x128xf32>,
    %swap3A_13 = arith.constant 0 : index
    %swap3A_14 = arith.constant 0 : index
    %swap3A_15 = vector.load %arg4[%swap3A_13, %swap3A_14] : memref<10000x1xf32, #tpu.memory_space<vmem>>, vector<10000x1xf32>
    tpu.vector_store %arg4[%swap3A_13, %swap3A_14], %rsqrt3A {strides = array<i32>} : memref<10000x1xf32, #tpu.memory_space<vmem>>, vector<10000x1xf32>,
    %get3A_16 = arith.constant 0 : index
    %get3A_17 = arith.constant 0 : index
    %get3A_18 = vector.load %arg2[%get3A_16, %get3A_17] : memref<128x5xf32, #tpu.memory_space<vmem>>, vector<128x5xf32>
    %dot_general3A = arith.constant dense<0.000000e+00> : vector<5x10000xf32>
    %dot_general3A_19 = tpu.matmul %get3A_18, %get3A_9, %dot_general3A {dimension_numbers = #tpu.dot_dimension_numbers<[0], [1], [1], [0], [0, 1, 1, 0], [], []>, transpose_lhs_hint = false} : vector<128x5xf32>, vector<10000x128xf32>, vector<5x10000xf32> -> vector<5x10000xf32>
    %iota3A = tpu.iota {dimensions = array<i32: 0>} : vector<5x10000xi32>
    %reduce_max3A = arith.constant dense<0xFF800000> : vector<10000xf32>
    %reduce_max3A_20 = vector.multi_reduction <maximumf>, %dot_general3A_19, %reduce_max3A [0] : vector<5x10000xf32> to vector<10000xf32>
    %broadcast_in_dim3A = vector.shape_cast %reduce_max3A_20 : vector<10000xf32> to vector<1x10000xf32>
    %eq3A = vector.broadcast %broadcast_in_dim3A : vector<1x10000xf32> to vector<5x10000xf32>
    %eq3A_21 = arith.cmpf oeq, %dot_general3A_19, %eq3A : vector<5x10000xf32>
    %jit3A = arith.constant 5 : i32
    %broadcast_in_dim3A_22 = vector.broadcast %jit3A : i32 to vector<5x10000xi32>
    %select_n3A = arith.select %eq3A_21, %iota3A, %broadcast_in_dim3A_22 : vector<5x10000xi1>, vector<5x10000xi32>
    %reduce_min3A = arith.constant dense<2147483647> : vector<10000xi32>
    %reduce_min3A_23 = vector.multi_reduction <minsi>, %select_n3A, %reduce_min3A [0] : vector<5x10000xi32> to vector<10000xi32>
    %broadcast_in_dim3A_24 = vector.shape_cast %reduce_min3A_23 : vector<10000xi32> to vector<1x10000xi32>
    %eq3A_25 = vector.broadcast %broadcast_in_dim3A_24 : vector<1x10000xi32> to vector<5x10000xi32>
    %eq3A_26 = arith.cmpi eq, %iota3A, %eq3A_25 : vector<5x10000xi32>
    %jit3A_27 = arith.constant 0xFF800000 : f32
    %broadcast_in_dim3A_28 = vector.broadcast %jit3A_27 : f32 to vector<5x10000xf32>
    %select_n3A_29 = arith.select %eq3A_26, %broadcast_in_dim3A_28, %dot_general3A_19 : vector<5x10000xi1>, vector<5x10000xf32>
    %reduce_max3A_30 = arith.constant dense<0xFF800000> : vector<10000xf32>
    %reduce_max3A_31 = vector.multi_reduction <maximumf>, %select_n3A_29, %reduce_max3A_30 [0] : vector<5x10000xf32> to vector<10000xf32>
    %broadcast_in_dim3A_32 = vector.shape_cast %reduce_max3A_31 : vector<10000xf32> to vector<1x10000xf32>
    %eq3A_33 = vector.broadcast %broadcast_in_dim3A_32 : vector<1x10000xf32> to vector<5x10000xf32>
    %eq3A_34 = arith.cmpf oeq, %select_n3A_29, %eq3A_33 : vector<5x10000xf32>
    %jit3A_35 = arith.constant 5 : i32
    %broadcast_in_dim3A_36 = vector.broadcast %jit3A_35 : i32 to vector<5x10000xi32>
    %select_n3A_37 = arith.select %eq3A_34, %iota3A, %broadcast_in_dim3A_36 : vector<5x10000xi1>, vector<5x10000xi32>
    %reduce_min3A_38 = arith.constant dense<2147483647> : vector<10000xi32>
    %reduce_min3A_39 = vector.multi_reduction <minsi>, %select_n3A_37, %reduce_min3A_38 [0] : vector<5x10000xi32> to vector<10000xi32>
    %broadcast_in_dim3A_40 = vector.shape_cast %reduce_min3A_39 : vector<10000xi32> to vector<1x10000xi32>
    %sub3A = arith.subf %broadcast_in_dim3A_32, %broadcast_in_dim3A : vector<1x10000xf32>
    %exp3A = math.exp %sub3A : vector<1x10000xf32>
    %add3A_41 = arith.constant 1.000000e+00 : f32
    %add3A_42 = vector.broadcast %add3A_41 : f32 to vector<1x10000xf32>
    %add3A_43 = arith.addf %add3A_42, %exp3A : vector<1x10000xf32>
    %div3A = arith.constant 1.000000e+00 : f32
    %div3A_44 = vector.broadcast %div3A : f32 to vector<1x10000xf32>
    %div3A_45 = arith.divf %div3A_44, %add3A_43 : vector<1x10000xf32>
    %add3A_46 = arith.constant 1.000000e+00 : f32
    %add3A_47 = vector.broadcast %add3A_46 : f32 to vector<1x10000xf32>
    %add3A_48 = arith.addf %add3A_47, %exp3A : vector<1x10000xf32>
    %div3A_49 = arith.divf %exp3A, %add3A_48 : vector<1x10000xf32>
    %eq3A_50 = vector.broadcast %broadcast_in_dim3A_24 : vector<1x10000xi32> to vector<5x10000xi32>
    %eq3A_51 = arith.cmpi eq, %iota3A, %eq3A_50 : vector<5x10000xi32>
    %jit3A_52 = arith.constant 0.000000e+00 : f32
    %broadcast_in_dim3A_53 = vector.shape_cast %div3A_45 : vector<1x10000xf32> to vector<1x10000xf32>
    %broadcast_in_dim3A_54 = vector.broadcast %broadcast_in_dim3A_53 : vector<1x10000xf32> to vector<5x10000xf32>
    %broadcast_in_dim3A_55 = vector.broadcast %jit3A_52 : f32 to vector<5x10000xf32>
    %select_n3A_56 = arith.select %eq3A_51, %broadcast_in_dim3A_54, %broadcast_in_dim3A_55 : vector<5x10000xi1>, vector<5x10000xf32>
    %eq3A_57 = vector.broadcast %broadcast_in_dim3A_40 : vector<1x10000xi32> to vector<5x10000xi32>
    %eq3A_58 = arith.cmpi eq, %iota3A, %eq3A_57 : vector<5x10000xi32>
    %jit3A_59 = arith.constant 0.000000e+00 : f32
    %broadcast_in_dim3A_60 = vector.shape_cast %div3A_49 : vector<1x10000xf32> to vector<1x10000xf32>
    %broadcast_in_dim3A_61 = vector.broadcast %broadcast_in_dim3A_60 : vector<1x10000xf32> to vector<5x10000xf32>
    %broadcast_in_dim3A_62 = vector.broadcast %jit3A_59 : f32 to vector<5x10000xf32>
    %select_n3A_63 = arith.select %eq3A_58, %broadcast_in_dim3A_61, %broadcast_in_dim3A_62 : vector<5x10000xi1>, vector<5x10000xf32>
    %add3A_64 = arith.addf %select_n3A_56, %select_n3A_63 : vector<5x10000xf32>
    %transpose3A = tpu.transpose %add3A_64, [1, 0] : vector<5x10000xf32> -> vector<10000x5xf32>
    %swap3A_65 = arith.constant 0 : index
    %swap3A_66 = arith.constant 0 : index
    %swap3A_67 = vector.load %arg5[%swap3A_65, %swap3A_66] : memref<10000x5xf32, #tpu.memory_space<vmem>>, vector<10000x5xf32>
    tpu.vector_store %arg5[%swap3A_65, %swap3A_66], %transpose3A {strides = array<i32>} : memref<10000x5xf32, #tpu.memory_space<vmem>>, vector<10000x5xf32>,
    %reduce_sum3A = arith.constant dense<0.000000e+00> : vector<5xf32>
    %reduce_sum3A_68 = vector.multi_reduction <add>, %add3A_64, %reduce_sum3A [1] : vector<5x10000xf32> to vector<5xf32>
    %reduce_sum3A_69 = vector.shape_cast %reduce_sum3A_68 : vector<5xf32> to vector<1x5xf32>
    %reduce_sum3A_70 = arith.constant dense<0.000000e+00> : vector<1xf32>
    %reduce_sum3A_71 = vector.multi_reduction <add>, %reduce_sum3A_69, %reduce_sum3A_70 [1] : vector<1x5xf32> to vector<1xf32>
    %reduce_sum3A_72 = vector.shape_cast %reduce_sum3A_71 : vector<1xf32> to vector<1x1xf32>
    %reduce_sum3A_73 = vector.extract %reduce_sum3A_72[0, 0] : f32 from vector<1x1xf32>
    %div3A_74 = arith.constant 5.000000e+00 : f32
    %div3A_75 = arith.divf %reduce_sum3A_73, %div3A_74 : f32
    %sub3A_76 = vector.broadcast %div3A_75 : f32 to vector<5xf32>
    %sub3A_77 = arith.subf %reduce_sum3A_68, %sub3A_76 : vector<5xf32>
    %integer_pow3A = arith.mulf %sub3A_77, %sub3A_77 : vector<5xf32>
    %reduce_sum3A_78 = vector.shape_cast %integer_pow3A : vector<5xf32> to vector<1x5xf32>
    %reduce_sum3A_79 = arith.constant dense<0.000000e+00> : vector<1xf32>
    %reduce_sum3A_80 = vector.multi_reduction <add>, %reduce_sum3A_78, %reduce_sum3A_79 [1] : vector<1x5xf32> to vector<1xf32>
    %reduce_sum3A_81 = vector.shape_cast %reduce_sum3A_80 : vector<1xf32> to vector<1x1xf32>
    %reduce_sum3A_82 = vector.extract %reduce_sum3A_81[0, 0] : f32 from vector<1x1xf32>
    %div3A_83 = arith.constant 5.000000e+00 : f32
    %div3A_84 = arith.divf %reduce_sum3A_82, %div3A_83 : f32
    %sqrt3A = math.sqrt %div3A_84 : f32
    %add3A_85 = arith.constant 9.99999971E-10 : f32
    %add3A_86 = arith.addf %div3A_75, %add3A_85 : f32
    %div3A_87 = arith.divf %sqrt3A, %add3A_86 : f32
    %integer_pow3A_88 = arith.mulf %div3A_87, %div3A_87 : f32
    %reshape3A = vector.broadcast %integer_pow3A_88 : f32 to vector<1x1xf32>
    %swap3A_89 = arith.constant 0 : index
    %swap3A_90 = arith.constant 0 : index
    %swap3A_91 = vector.load %arg6[%swap3A_89, %swap3A_90] : memref<1x1xf32, #tpu.memory_space<vmem>>, vector<1x1xf32>
    tpu.vector_store %arg6[%swap3A_89, %swap3A_90], %reshape3A {strides = array<i32>} : memref<1x1xf32, #tpu.memory_space<vmem>>, vector<1x1xf32>,
    return
  }
}

module attributes {stable_mosaic.version = 14 : i64} {
  func.func @_fuse_body(%arg0: i32, %arg1: memref<2x2000x128xf32, #tpu.memory_space<vmem>>, %arg2: memref<2000x128xf32, #tpu.memory_space<vmem>>, %arg3: memref<2000x1xf32, #tpu.memory_space<vmem>>, %arg4: memref<2000x5xf32, #tpu.memory_space<vmem>>, %arg5: memref<128x640xf32, #tpu.memory_space<vmem>>, %arg6: memref<2000x128xf32, #tpu.memory_space<vmem>>) attributes {dimension_semantics = [#tpu.dimension_semantics<arbitrary>], iteration_bounds = array<i64: 5>, scalar_prefetch = 0 : i64, scratch_operands = 0 : i64, tpu.core_type = #tpu.core_type<tc>, window_params = [{transform_indices = @transform_0, window_bounds = array<i64: 2, 2000, 128>}, {transform_indices = @transform_1, window_bounds = array<i64: 2000, 128>}, {transform_indices = @transform_2, window_bounds = array<i64: 2000, 1>}, {transform_indices = @transform_3, window_bounds = array<i64: 2000, 5>}, {pipeline_mode = #tpu.pipeline_mode<synchronous>, transform_indices = @transform_4, window_bounds = array<i64: 128, 640>}, {transform_indices = @transform_5, window_bounds = array<i64: 2000, 128>}]} {
    %get3A = arith.constant 0 : index
    %get3A_0 = arith.constant 0 : index
    %get3A_1 = arith.constant 0 : index
    %get3A_2 = vector.load %arg1[%get3A, %get3A_0, %get3A_1] : memref<2x2000x128xf32, #tpu.memory_space<vmem>>, vector<1x2000x128xf32>
    %get3A_3 = vector.shape_cast %get3A_2 : vector<1x2000x128xf32> to vector<2000x128xf32>
    %get3A_4 = arith.constant 1 : index
    %get3A_5 = arith.constant 0 : index
    %get3A_6 = arith.constant 0 : index
    %get3A_7 = vector.load %arg1[%get3A_4, %get3A_5, %get3A_6] : memref<2x2000x128xf32, #tpu.memory_space<vmem>>, vector<1x2000x128xf32>
    %get3A_8 = vector.shape_cast %get3A_7 : vector<1x2000x128xf32> to vector<2000x128xf32>
    %add3A = arith.addf %get3A_3, %get3A_8 : vector<2000x128xf32>
    %get3A_9 = arith.constant 0 : index
    %get3A_10 = arith.constant 0 : index
    %get3A_11 = vector.load %arg3[%get3A_9, %get3A_10] : memref<2000x1xf32, #tpu.memory_space<vmem>>, vector<2000x1xf32>
    %get3A_12 = arith.constant 0 : index
    %get3A_13 = arith.constant 0 : index
    %get3A_14 = vector.load %arg2[%get3A_12, %get3A_13] : memref<2000x128xf32, #tpu.memory_space<vmem>>, vector<2000x128xf32>
    %add3A_15 = arith.addf %add3A, %get3A_14 : vector<2000x128xf32>
    %mul3A = vector.broadcast %get3A_11 : vector<2000x1xf32> to vector<2000x128xf32>
    %mul3A_16 = arith.mulf %mul3A, %add3A_15 : vector<2000x128xf32>
    %get3A_17 = arith.constant 0 : index
    %get3A_18 = arith.constant 0 : index
    %get3A_19 = vector.load %arg5[%get3A_17, %get3A_18] : memref<128x640xf32, #tpu.memory_space<vmem>>, vector<128x640xf32>
    %dot_general3A = arith.constant dense<0.000000e+00> : vector<2000x640xf32>
    %dot_general3A_20 = tpu.matmul %mul3A_16, %get3A_19, %dot_general3A {dimension_numbers = #tpu.dot_dimension_numbers<[1], [0], [0], [1], [0, 0, 1, 1], [], []>, transpose_lhs_hint = false} : vector<2000x128xf32>, vector<128x640xf32>, vector<2000x640xf32> -> vector<2000x640xf32>
    %get3A_21 = arith.constant 0 : index
    %get3A_22 = arith.constant 0 : index
    %get3A_23 = vector.load %arg4[%get3A_21, %get3A_22] : memref<2000x5xf32, #tpu.memory_space<vmem>>, vector<2000x1xf32>
    %slice3A = vector.extract_strided_slice %dot_general3A_20 {offsets = [0, 0], sizes = [2000, 128], strides = [1, 1]} : vector<2000x640xf32> to vector<2000x128xf32>
    %mul3A_24 = vector.broadcast %get3A_23 : vector<2000x1xf32> to vector<2000x128xf32>
    %mul3A_25 = arith.mulf %mul3A_24, %slice3A : vector<2000x128xf32>
    %get3A_26 = arith.constant 0 : index
    %get3A_27 = arith.constant 1 : index
    %get3A_28 = vector.load %arg4[%get3A_26, %get3A_27] : memref<2000x5xf32, #tpu.memory_space<vmem>>, vector<2000x1xf32>
    %slice3A_29 = vector.extract_strided_slice %dot_general3A_20 {offsets = [0, 128], sizes = [2000, 128], strides = [1, 1]} : vector<2000x640xf32> to vector<2000x128xf32>
    %mul3A_30 = vector.broadcast %get3A_28 : vector<2000x1xf32> to vector<2000x128xf32>
    %mul3A_31 = arith.mulf %mul3A_30, %slice3A_29 : vector<2000x128xf32>
    %add3A_32 = arith.addf %mul3A_25, %mul3A_31 : vector<2000x128xf32>
    %get3A_33 = arith.constant 0 : index
    %get3A_34 = arith.constant 2 : index
    %get3A_35 = vector.load %arg4[%get3A_33, %get3A_34] : memref<2000x5xf32, #tpu.memory_space<vmem>>, vector<2000x1xf32>
    %slice3A_36 = vector.extract_strided_slice %dot_general3A_20 {offsets = [0, 256], sizes = [2000, 128], strides = [1, 1]} : vector<2000x640xf32> to vector<2000x128xf32>
    %mul3A_37 = vector.broadcast %get3A_35 : vector<2000x1xf32> to vector<2000x128xf32>
    %mul3A_38 = arith.mulf %mul3A_37, %slice3A_36 : vector<2000x128xf32>
    %add3A_39 = arith.addf %add3A_32, %mul3A_38 : vector<2000x128xf32>
    %get3A_40 = arith.constant 0 : index
    %get3A_41 = arith.constant 3 : index
    %get3A_42 = vector.load %arg4[%get3A_40, %get3A_41] : memref<2000x5xf32, #tpu.memory_space<vmem>>, vector<2000x1xf32>
    %slice3A_43 = vector.extract_strided_slice %dot_general3A_20 {offsets = [0, 384], sizes = [2000, 128], strides = [1, 1]} : vector<2000x640xf32> to vector<2000x128xf32>
    %mul3A_44 = vector.broadcast %get3A_42 : vector<2000x1xf32> to vector<2000x128xf32>
    %mul3A_45 = arith.mulf %mul3A_44, %slice3A_43 : vector<2000x128xf32>
    %add3A_46 = arith.addf %add3A_39, %mul3A_45 : vector<2000x128xf32>
    %get3A_47 = arith.constant 0 : index
    %get3A_48 = arith.constant 4 : index
    %get3A_49 = vector.load %arg4[%get3A_47, %get3A_48] : memref<2000x5xf32, #tpu.memory_space<vmem>>, vector<2000x1xf32>
    %slice3A_50 = vector.extract_strided_slice %dot_general3A_20 {offsets = [0, 512], sizes = [2000, 128], strides = [1, 1]} : vector<2000x640xf32> to vector<2000x128xf32>
    %mul3A_51 = vector.broadcast %get3A_49 : vector<2000x1xf32> to vector<2000x128xf32>
    %mul3A_52 = arith.mulf %mul3A_51, %slice3A_50 : vector<2000x128xf32>
    %add3A_53 = arith.addf %add3A_46, %mul3A_52 : vector<2000x128xf32>
    %swap3A = arith.constant 0 : index
    %swap3A_54 = arith.constant 0 : index
    %swap3A_55 = vector.load %arg6[%swap3A, %swap3A_54] : memref<2000x128xf32, #tpu.memory_space<vmem>>, vector<2000x128xf32>
    tpu.vector_store %arg6[%swap3A, %swap3A_54], %add3A_53 {strides = array<i32>} : memref<2000x128xf32, #tpu.memory_space<vmem>>, vector<2000x128xf32>,
    return
  }
  func.func @transform_0(%arg0: i32) -> (i32, i32, i32) {
    %c0_i32 = arith.constant 0 : i32
    %c0_i32_0 = arith.constant 0 : i32
    %c0_i32_1 = arith.constant 0 : i32
    return %c0_i32, %arg0, %c0_i32_0 : i32, i32, i32
  }
  func.func @transform_1(%arg0: i32) -> (i32, i32) {
    %c0_i32 = arith.constant 0 : i32
    %c0_i32_0 = arith.constant 0 : i32
    return %arg0, %c0_i32 : i32, i32
  }
  func.func @transform_2(%arg0: i32) -> (i32, i32) {
    %c0_i32 = arith.constant 0 : i32
    %c0_i32_0 = arith.constant 0 : i32
    return %arg0, %c0_i32 : i32, i32
  }
  func.func @transform_3(%arg0: i32) -> (i32, i32) {
    %c0_i32 = arith.constant 0 : i32
    %c0_i32_0 = arith.constant 0 : i32
    return %arg0, %c0_i32 : i32, i32
  }
  func.func @transform_4(%arg0: i32) -> (i32, i32) {
    %c0_i32 = arith.constant 0 : i32
    %c0_i32_0 = arith.constant 0 : i32
    %c0_i32_1 = arith.constant 0 : i32
    return %c0_i32, %c0_i32_0 : i32, i32
  }
  func.func @transform_5(%arg0: i32) -> (i32, i32) {
    %c0_i32 = arith.constant 0 : i32
    %c0_i32_0 = arith.constant 0 : i32
    return %arg0, %c0_i32 : i32, i32
  }
}

</mosaic_0001>

<sc_bundles>
// kernel: kernel.6.cloned.1.call-start
scs
__scs_entry_jumppad:
0x0: {  	(pc) =	sbr.rel $0x88, $3  }
0x1: {  	(tag) =	ssettag $0x0;
	lr =	simm.s32 $0x1  }
0x2: {  	[smem:$0x3F9D] =	sst lr;
	_ =	strace $0xD0000000  }
0x3: {  	_ = 	snop  }
0x4: {  	_ = 	snop  }
0x5: {  	_ = 	snop  }
0x6: {  	_ = 	snop  }
0x7: {  	_ = 	snop  }
__scs_overlays_trampoline_lowered:
0x8: {  	[smem:$0x3FAC] =	sst s0  }
0x9: {  	[smem:$0x3FAD] =	sst s1  }
0xa: {  	[smem:$0x3FAE] =	sst s2  }
0xb: {  	[smem:$0x3FAF] =	sst s3  }
0xc: {  	[smem:$0x3FB0] =	sst s4  }
0xd: {  	[smem:$0x3FB1] =	sst s5  }
0xe: {  	[smem:$0x3FB2] =	sst s6  }
0xf: {  	[smem:$0x3FB3] =	sst s7  }
0x10: {  	[smem:$0x3FB4] =	sst s8  }
0x11: {  	[smem:$0x3FB5] =	sst s9;
	s0 =	simm.s32 @!p0 $0x0  }
0x12: {  	s1 =	sld [smem:$0x3F9B];
	s0 =	simm.s32 @p0 $0x1  }
0x13: {  	[smem:$0x3FB6] =	sst s0;
	s0 =	simm.s32 @!p1 $0x0  }
0x14: {  	s2 =	sld [smem:$0x3F9A];
	s0 =	simm.s32 @p1 $0x1  }
0x15: {  	[smem:$0x3FB7] =	sst s0;
	s0 =	simm.s32 @!p2 $0x0  }
0x16: {  	s3 =	sld [smem:$0x3FDB];
	s0 =	simm.s32 @p2 $0x1  }
0x17: {  	s4 =	simm.s32 $0x1BF5;
	[smem:$0x3FB9] =	sst s0  }
0x18: {  	s0 =	sld [smem:$0x3F9C];
	_ =	swait.ge [sflag:s4], $0x0  }
0x19: {  	s7 =	sld [smem:$0x3F9D]  }
0x1a: {  	s8 =	sadd.s32 $0xFFFFE003, lr  }
0x1b: {  	s9 =	sadd.s32 $0xFFFFFEF7, lr;
	s5 =	simm.s32 $0xFFFFFFFF;
	p2 =	slt.u32 s8, $0xFFFFF086  }
0x1c: {  	p1 =	slt.u32 s9, $0xF7A;
	s5 =	simm.s32 @!p2 $0x0  }
0x1d: {  	s5 =	simm.s32 @p1 $0x1;
	p0 =	seq.s32 s7, s2  }
0x1e: {  	s7 =	smul.u32 @!p0 $0xF7A, s2;
	p2 =	seq.s32 @!p0 s5, $0x0  }
0x1f: {  	s9 =	smul.u32 $0xF7A, s1;
	s8 =	simm.s32 @!p0 $0x1BF5;
	p2 =	por !p2, p0  }
0x20: {  	[sflag:s8] =	ssyncset.s32 @!p0 $0xFFFFF086;
	s6 =	sadd.s32 @!p0 s3, s7;
	s7 =	simm.s32 @!p0 $0x108  }
0x21: {  	s3 =	sadd.s32 s3, s9;
	s6 =	sadd.s32 @!p0 $0x88, s6;
	s7 =	simm.s32 @p2 $0x1082  }
0x22: {  	[simem:s7], [sflag:s8] =	dma.local @!p0 [hbm:s6], $0xF7A  }
0x23: {  	s9 =	sor.u32 $0xD0000000, s2;
	s6 =	simm.s32 $0x108;
	_ =	swait.ge @!p0 [sflag:s8], $0x0  }
0x24: {  	s3 =	sadd.s32 $0x88, s3;
	s6 =	simm.s32 @!p1 $0x1082;
	[sflag:s4] =	ssyncset.s32 $0xFFFFF086  }
0x25: {  	[simem:s6], [sflag:s4] =	dma.local [hbm:s3], $0xF7A  }
0x26: {  	[smem:$0x3F9D] =	sst s1;
	(tag) =	ssettag s2;
	_ =	strace s9  }
0x27: {  	s1 =	sld [smem:$0x3FAD]  }
0x28: {  	s2 =	sld [smem:$0x3FAE]  }
0x29: {  	s4 =	sld [smem:$0x3FB0]  }
0x2a: {  	p0 =	seq.s32 s5, $0x0;
	s5 =	sld [smem:$0x3FB1]  }
0x2b: {  	s6 =	sld [smem:$0x3FB2]  }
0x2c: {  	s7 =	sld [smem:$0x3FB3]  }
0x2d: {  	s3 =	simm.s32 $0x108;
	s8 =	sld [smem:$0x3FB4]  }
0x2e: {  	s3 =	simm.s32 @!p0 $0x1082;
	s9 =	sld [smem:$0x3FB5]  }
0x2f: {  	lr =	sadd.s32 s0, s3;
	s0 =	sld [smem:$0x3FAC]  }
0x30: {  	s3 =	sld [smem:$0x3FAF]  }
0x31: {  	[smem:$0x3FB8] =	sst s10  }
0x32: {  	s10 =	sld [smem:$0x3FB6];
	_ =	sdelay $0x3  }
0x33: {  	p0 =	seq.s32 s10, $0x1;
	s10 =	sld [smem:$0x3FB8];
	_ =	sdelay $0x3  }
0x34: {  	[smem:$0x3FB8] =	sst s10  }
0x35: {  	s10 =	sld [smem:$0x3FB7];
	_ =	sdelay $0x3  }
0x36: {  	p1 =	seq.s32 s10, $0x1;
	s10 =	sld [smem:$0x3FB8];
	_ =	sdelay $0x3  }
0x37: {  	[smem:$0x3FB8] =	sst s10  }
0x38: {  	s10 =	sld [smem:$0x3FB9]  }
0x39: {  	_ = 	snop;
	(pc) =	sbr.ind lr, $3  }
0x3a: {  	_ = 	snop  }
0x3b: {  	_ = 	snop  }
0x3c: {  	p2 =	seq.s32 s10, $0x1;
	s10 =	sld [smem:$0x3FB8]  }
0x3d: {  	_ =	shalt  }
0x3e: {  	_ =	shalt  }
0x3f: {  	_ =	shalt  }
0x40: {  	_ =	shalt  }
0x41: {  	_ =	shalt  }
0x42: {  	_ =	shalt  }
0x43: {  	_ =	shalt  }
0x44: {  	_ =	shalt  }
0x45: {  	_ =	shalt  }
0x46: {  	_ =	shalt  }
0x47: {  	_ =	shalt  }
0x48: {  	_ =	shalt  }
0x49: {  	_ =	shalt  }
0x4a: {  	_ =	shalt  }
0x4b: {  	_ =	shalt  }
0x4c: {  	_ =	shalt  }
0x4d: {  	_ =	shalt  }
0x4e: {  	_ =	shalt  }
0x4f: {  	_ =	shalt  }
0x50: {  	_ =	shalt  }
0x51: {  	_ =	shalt  }
0x52: {  	_ =	shalt  }
0x53: {  	_ =	shalt  }
0x54: {  	_ =	shalt  }
0x55: {  	_ =	shalt  }
0x56: {  	_ =	shalt  }
0x57: {  	_ =	shalt  }
0x58: {  	_ =	shalt  }
0x59: {  	_ =	shalt  }
0x5a: {  	_ =	shalt  }
0x5b: {  	_ =	shalt  }
0x5c: {  	_ =	shalt  }
0x5d: {  	_ =	shalt  }
0x5e: {  	_ =	shalt  }
0x5f: {  	_ =	shalt  }
0x60: {  	_ =	shalt  }
0x61: {  	_ =	shalt  }
0x62: {  	_ =	shalt  }
0x63: {  	_ =	shalt  }
0x64: {  	_ =	shalt  }
0x65: {  	_ =	shalt  }
0x66: {  	_ =	shalt  }
0x67: {  	_ =	shalt  }
0x68: {  	_ =	shalt  }
0x69: {  	_ =	shalt  }
0x6a: {  	_ =	shalt  }
0x6b: {  	_ =	shalt  }
0x6c: {  	_ =	shalt  }
0x6d: {  	_ =	shalt  }
0x6e: {  	_ =	shalt  }
0x6f: {  	_ =	shalt  }
0x70: {  	_ =	shalt  }
0x71: {  	_ =	shalt  }
0x72: {  	_ =	shalt  }
0x73: {  	_ =	shalt  }
0x74: {  	_ =	shalt  }
0x75: {  	_ =	shalt  }
0x76: {  	_ =	shalt  }
0x77: {  	_ =	shalt  }
0x78: {  	_ =	shalt  }
0x79: {  	_ =	shalt  }
0x7a: {  	_ =	shalt  }
0x7b: {  	_ =	shalt  }
0x7c: {  	_ =	shalt  }
0x7d: {  	_ =	shalt  }
0x7e: {  	_ =	shalt  }
0x7f: {  	_ =	shalt  }
0x80: {  	_ =	shalt  }
0x81: {  	_ =	shalt  }
0x82: {  	_ =	shalt  }
0x83: {  	_ =	shalt  }
0x84: {  	_ =	shalt  }
0x85: {  	_ =	shalt  }
0x86: {  	_ =	shalt  }
0x87: {  	_ =	shalt  }
.Lfunc_end0:
.L_simem_size_0:
called_computation_lowered:
.L_overlay_start_0:
0x88: {  	s2 =	sld [smem:$0x3FD9]  }
0x89: {  	s3 =	sld [smem:$0x3FFE];
	_ =	sdelay $0x1  }
0x8a: {  	s1 =	srdreg.scid  }
0x8b: {  	s0 =	sand.u32 $0x1, s1  }
0x8c: {  	s14 =	sshll.u32 s0, $0xA;
	s2 =	sadd.s32 s3, s2  }
0x8d: {  	s2 =	sadd.s32 s2, s14  }
0x8e: {  	[smem:$0x3FC4] =	sst s2  }
0x8f: {  	_ = 	snop  }
0x90: {  	s2 =	sld [smem:$0x3FD0];
	_ =	sdelay $0x2  }
0x91: {  	s15 =	simm.s32 $0xA;
	s4 =	simm.s32 $0x10  }
0x92: {  	[smem:s4], [sflag:s15] =	dma.local [hbm:s2], $0x1  }
0x93: {  	_ =	swait.eq [sflag:s15], $0x1  }
0x94: {  	[sflag:s15] =	ssyncset.done $0x0  }
0x95: {  	s16 =	sld [smem:$0x10];
	[sflag:s15] =	ssyncadd.s32 $0xFFFFFFFF  }
0x96: {  	s17 =	sld [smem:$0x12];
	(tm) =	ssettm $0x1  }
0x97: {  	s18 =	sld [smem:$0x3FFB];
	_ =	sdelay $0x3  }
0x98: {  	_ =	strace s18  }
0x99: {  	s4 =	sld [smem:$0x3FFC];
	_ =	sdelay $0x3  }
0x9a: {  	_ =	strace s4  }
0x9b: {  	s4 =	sld [smem:$0x3FFD];
	_ =	sdelay $0x3  }
0x9c: {  	_ =	strace s4  }
0x9d: {  	_ =	strace $0x8FFFFFFF  }
0x9e: {  	s19 =	sld [smem:$0x3FDB];
	_ =	sdelay $0x1  }
0x9f: {  	s5 =	simm.s32 $_scs_section_size  }
0xa0: {  	s6 =	simm.s32 $_size__tile_overlayer_lowered;
	s7 =	simm.s32 $_tile_overlayer_lowered  }
0xa1: {  	s22 =	simm.s32 $0x1BFF;
	s21 =	sshll.u32 s7, $0x1;
	s4 =	sadd.s32 s5, s19  }
0xa2: {  	s8 =	simm.s32 $0x0;
	s20 =	sshll.u32 s6, $0x1;
	s6 =	sadd.s32 s21, s4  }
0xa3: {  	[timem:s8], [sflag:s22] =	dma.local [hbm:s6], s20  }
0xa4: {  	_ =	swait.ge [sflag:s22], s20  }
0xa5: {  	s5 =	ssub.s32 $0x0, s20;
	[sflag:s22] =	ssyncset.done $0x0  }
0xa6: {  	[sflag:s22] =	ssyncadd.s32 s5;
	_ =	sdelay $0x1  }
0xa7: {  	s23 =	simm.s32 $0x1B8B  }
0xa8: {  	_ =	swait.ge [sflag:s23], $0x1  }
0xa9: {  	[sflag:s23] =	ssyncset.done $0x0  }
0xaa: {  	s25 =	simm.s32 $0x1B8E;
	s24 =	sld [smem:$0x3FFE];
	[sflag:s23] =	ssyncadd.s32 $0xFFFFFFFF  }
0xab: {  	s26 =	simm.s32 $execute0_lowered;
	[smem:$0x3FD2] =	sst s25  }
0xac: {  	s6 =	sshll.u32 s26, $0x1;
	_ =	strace $0x80000046;
	[dreg:$0x1] =	wrdreg $0xFFFFFFFF  }
0xad: {  	s28 =	simm.s32 $_size_execute0_lowered;
	s4 =	sadd.s32 s4, s6;
	[dreg:$0x0] =	wrdreg $0x0  }
0xae: {  	s6 =	sshll.u32 s28, $0x1;
	[dreg:$0x2] =	wrdreg s4  }
0xaf: {  	[dreg:$0x3] =	wrdreg s6  }
0xb0: {  	[dreg:$0x4] =	wrdreg $0xC0  }
0xb1: {  	_ =	task [dreg:s8], $0x5FFFF  }
0xb2: {  	[dreg:$0x1] =	wrdreg $0xFFFFFFFF  }
0xb3: {  	[dreg:$0x0] =	wrdreg $0x60  }
0xb4: {  	[dreg:$0x2] =	wrdreg s16  }
0xb5: {  	[dreg:$0x3] =	wrdreg s24  }
0xb6: {  	[dreg:$0x4] =	wrdreg s17  }
0xb7: {  	[dreg:$0x5] =	wrdreg $0x4F000  }
0xb8: {  	[dreg:$0x6] =	wrdreg $0x9  }
0xb9: {  	_ =	task.clear_ibuf [dreg:s8], $0x7FFFF;
	_ =	strace $0x90000046  }
0xba: {  	s29 =	simm.s32 $0x9;
	_ =	strace $0x80000048  }
0xbb: {  	_ =	swait.ge [sflag:s29], $0x1  }
0xbc: {  	[sflag:s29] =	ssyncadd.s32 $0xFFFFFFFF  }
0xbd: {  	_ =	strace $0x90000048  }
0xbe: {  	_ =	sfence  }
0xbf: {  	s30 =	sld [smem:$0x0];
	_ =	sdelay $0x2  }
0xc0: {  	s31 =	sshll.u32 s1, $0xD;
	s1 =	sshrl.u32 s1, $0x2  }
0xc1: {  	s3 =	sand.u32 $0x4000, s31;
	s1 =	sadd.s32 s1, s30  }
0xc2: {  	s0 =	sor.u32 s3, s0;
	s1 =	sshll.u32 s1, $0x11  }
0xc3: {  	s0 =	sor.u32 s1, s0  }
0xc4: {  	s0 =	sadd.s32 $0x8F2B, s0  }
0xc5: {  	[sflag:s0] =	ssyncadd.remote.s32 $0x1  }
0xc6: {  	_ =	sfence.sel $0xFFFF  }
0xc7: {  	[dreg:$0x0] =	wrdreg $0xFFFFFFFF;
	(pc) =	sbr.abs _section_cstart, $3  }
0xc8: {  	[dreg:$0x1] =	wrdreg $0xFFFFFFFF  }
0xc9: {  	_ =	task.clear_ibuf [dreg:s8], $0x2FFFF;
	_ =	strace $0x9FFFFFFF  }
0xca: {  	(tm) =	ssettm $0x7FFFFFFF  }
0xcb: {  	_ =	shalt  }
tec
execute0_lowered:
.L_overlay_start_1:
0x0: {  	(tag) =	ssettag $0x1  }
0x1: {  	s8 =	rddreg [dreg:$0x0]  }
0x2: {  	s12 =	rddreg [dreg:$0x1]  }
0x3: {  	s4 =	rddreg [dreg:$0x2];
	s1 =	srdreg.scid  }
0x4: {  	s0 =	stileid.u32;
	s2 =	rddreg [dreg:$0x3]  }
0x5: {  	s3 =	simm.s32 $0x0;
	s13 =	sand.u32 $0x1, s1;
	s5 =	smul.u32 $0x280, s0  }
0x6: {  	[smem:$0x7FF] =	sst s3;
	s6 =	smul.u32 $0x2800, s13  }
0x7: {  	s1 =	rddreg [dreg:$0x4];
	s31 =	sshll.u32 s0, $0x6;
	_ =	strace $0x80000047  }
0x8: {  	s7 =	sshll.u32 s13, $0x4;
	s30 =	sadd.s32 s5, s2;
	s6 =	sadd.s32 s5, s6  }
0x9: {  	s9 =	sor.u32 s0, s7;
	s5 =	sor.u32 $0x1C01, s31;
	s14 =	sshrl.u32 s6, $0x3  }
0xa: {  	s7 =	sshrl.u32 s30, $0x3;
	s6 =	simm.s32 $0x1;
	s4 =	sadd.s32 s4, s14  }
0xb: {  	[spmem:s7], [sflag:s5] =	dma.local [hbm:s4], $0x50  }
0xc: {  	s9 =	smul.u32 $0x4E2, s9;
	_ =	swait.ge [sflag:s6], $0x50  }
0xd: {  	[sflag:s6] =	ssyncset.done $0x0  }
0xe: {  	s8 =	sadd.s32 s8, s9;
	[sflag:s6] =	ssyncadd.s32 $0xFFFFFFB0  }
0xf: {  	[tilespmem:s3], [sflag:$0x1] =	stream.linear.gather [hbm4b:s8+s3], $0x2710, $0x38;
	[tilespmem:$0x5180] =	vst v63  }
0x10: {  	_ =	swait.ge [sflag:s6], $0x2710  }
0x11: {  	[sflag:s6] =	ssyncset.done $0x0  }
0x12: {  	s10 =	simm.s32 $0x2780;
	s9 =	sadd.s32 $0x1200, s12;
	[sflag:s6] =	ssyncadd.s32 $0xFFFFD8F0  }
0x13: {  	[tilespmem:s10], [sflag:$0x1] =	stream.linear.gather [hbm4b:s9+s3], $0x2780, $0x38;
	[tilespmem:$0x5180] =	vst v63  }
0x14: {  	_ =	swait.ge [sflag:s6], $0x2780  }
0x15: {  	s13 =	ssub.s32 $0x2, s13;
	[sflag:s6] =	ssyncset.done $0x0  }
0x16: {  	s15 =	sshrl.u32 s13, $0x1;
	[sflag:s6] =	ssyncadd.s32 $0xFFFFD880  }
0x17: {  	s11 =	simm.s32 $0x2710;
	s13 =	ssub.s32 s13, s15;
	[bflag:$0x0] =	sbarrier.arrive $0xFFFF  }
0x18: {  	[spmem:s2] =	stream.indirect.scatter.add.f32 [tilespmem:s10], [sflag:$0x1], $0x1, s3, s11, $0xb8;
	[tilespmem:$0x5180] =	vst v63  }
0x19: {  	s13 =	smax.u32 s13, $0x1;
	_ =	swait.ge [sflag:s6], $0x2710  }
0x1a: {  	p0 =	sne.s32 s13, $0x1;
	[sflag:s6] =	ssyncset.done $0x0  }
.Ltmp0:
0x1b: {  	s12 =	sadd.s32 s14, s12;
	[sflag:s6] =	ssyncadd.s32 $0xFFFFD8F0;
	(pc) =	sbr.rel @!p0 .LBB2_2-.Ltmp0, $4  }
0x1c: {  	s12 =	sadd.s32 $0x1800, s12;
	[bflag:$0x0] =	sbarrier.arrive $0xFFFF  }
0x1d: {  	[hbm:s12], [sflag:s5] =	dma.local [spmem:s7], $0x50  }
0x1e: {  	_ =	swait.ge [sflag:s6], $0x50  }
0x1f: {  	s13 =	sadd.s32 $0xFFFFFFFF, s13;
	[sflag:s6] =	ssyncset.done $0x0  }
.LBB2_1:
0x20: {  	p0 =	sne.s32 s13, $0x1;
	s13 =	sadd.s32 $0xFFFFFFFF, s13;
	[sflag:s6] =	ssyncadd.s32 $0xFFFFFFB0  }
0x21: {  	[spmem:s7], [sflag:s5] =	dma.local [hbm:s4], $0x50  }
0x22: {  	_ =	swait.ge [sflag:s6], $0x50  }
0x23: {  	[sflag:s6] =	ssyncset.done $0x0  }
0x24: {  	[sflag:s6] =	ssyncadd.s32 $0xFFFFFFB0  }
0x25: {  	[tilespmem:s3], [sflag:$0x1] =	stream.linear.gather [hbm4b:s8+s3], $0x2710, $0x38;
	[tilespmem:$0x5180] =	vst v63  }
0x26: {  	_ =	swait.ge [sflag:s6], $0x2710  }
0x27: {  	[sflag:s6] =	ssyncset.done $0x0  }
0x28: {  	[sflag:s6] =	ssyncadd.s32 $0xFFFFD8F0  }
0x29: {  	[tilespmem:s10], [sflag:$0x1] =	stream.linear.gather [hbm4b:s9+s3], $0x2780, $0x38;
	[tilespmem:$0x5180] =	vst v63  }
0x2a: {  	_ =	swait.ge [sflag:s6], $0x2780  }
0x2b: {  	[sflag:s6] =	ssyncset.done $0x0  }
0x2c: {  	[sflag:s6] =	ssyncadd.s32 $0xFFFFD880  }
0x2d: {  	[bflag:$0x0] =	sbarrier.arrive $0xFFFF  }
0x2e: {  	[spmem:s2] =	stream.indirect.scatter.add.f32 [tilespmem:s10], [sflag:$0x1], $0x1, s3, s11, $0xb8;
	[tilespmem:$0x5180] =	vst v63  }
0x2f: {  	_ =	swait.ge [sflag:s6], $0x2710  }
0x30: {  	[sflag:s6] =	ssyncset.done $0x0  }
.Ltmp1:
0x31: {  	[sflag:s6] =	ssyncadd.s32 $0xFFFFD8F0;
	(pc) =	sbr.rel @p0 .LBB2_1-.Ltmp1, $4  }
0x32: {  	[bflag:$0x0] =	sbarrier.arrive $0xFFFF  }
0x33: {  	[hbm:s12], [sflag:s5] =	dma.local [spmem:s7], $0x50  }
0x34: {  	_ =	swait.ge [sflag:s6], $0x50  }
0x35: {  	[sflag:s6] =	ssyncset.done $0x0  }
.LBB2_2:
0x36: {  	[sflag:s6] =	ssyncadd.s32 $0xFFFFFFB0  }
0x37: {  	_ =	sfence.sel $0x180000  }
0x38: {  	[bflag:$0x0] =	sbarrier.arrive $0xFFFF  }
0x39: {  	p0 =	sne.s32 s0, $0x0;
	_ =	strace $0x90000047  }
0x3a: {  	s0 =	sadd.s32 @!p0 $0x100000, s1;
	[bflag:$0x2] =	sbarrier.arrive $0xFFFF  }
0x3b: {  	[sflag:s0] =	ssyncadd.tile.s32 @!p0 $0x1;
	_ =	shalt  }
.Lfunc_end2:
_tile_overlayer_lowered:
.L_overlay_start_2:
0x3c: {  	(tag) =	ssettag $0x2  }
0x3d: {  	s0 =	rddreg [dreg:$0x0];
	s2 =	stileid.u32  }
0x3e: {  	s1 =	rddreg [dreg:$0x1];
	p0 =	sne.s32 s2, $0x0  }
0x3f: {  	s3 =	rddreg [dreg:$0x2];
	[bflag:$0x3] =	sbarrier.arrive $0xFFFF;
	s2 =	simm.s32 @!p0 $0x1C01  }
0x40: {  	[timem:s3], [sflag:s2] =	dma.local @!p0 [hbm:s0], s1  }
0x41: {  	s0 =	simm.s32 @!p0 $0x1  }
0x42: {  	_ =	swait.ge @!p0 [sflag:s0], s1  }
0x43: {  	s1 =	ssub.s32 @!p0 $0x0, s1;
	[sflag:s0] =	ssyncset.done @!p0 $0x0  }
0x44: {  	[sflag:s0] =	ssyncadd.s32 @!p0 s1  }
0x45: {  	[bflag:$0x3] =	sbarrier.arrive $0xFFFF  }
0x46: {  	_ =	shalt  }

// kernel: kernel.9.cloned.1.call-start
scs
__scs_entry_jumppad:
0x0: {  	(pc) =	sbr.rel $0x88, $3  }
0x1: {  	(tag) =	ssettag $0x0;
	lr =	simm.s32 $0x1  }
0x2: {  	[smem:$0x3F9D] =	sst lr;
	_ =	strace $0xD0000000  }
0x3: {  	_ = 	snop  }
0x4: {  	_ = 	snop  }
0x5: {  	_ = 	snop  }
0x6: {  	_ = 	snop  }
0x7: {  	_ = 	snop  }
__scs_overlays_trampoline_lowered:
0x8: {  	[smem:$0x3FAC] =	sst s0  }
0x9: {  	[smem:$0x3FAD] =	sst s1  }
0xa: {  	[smem:$0x3FAE] =	sst s2  }
0xb: {  	[smem:$0x3FAF] =	sst s3  }
0xc: {  	[smem:$0x3FB0] =	sst s4  }
0xd: {  	[smem:$0x3FB1] =	sst s5  }
0xe: {  	[smem:$0x3FB2] =	sst s6  }
0xf: {  	[smem:$0x3FB3] =	sst s7  }
0x10: {  	[smem:$0x3FB4] =	sst s8  }
0x11: {  	[smem:$0x3FB5] =	sst s9;
	s0 =	simm.s32 @!p0 $0x0  }
0x12: {  	s1 =	sld [smem:$0x3F9B];
	s0 =	simm.s32 @p0 $0x1  }
0x13: {  	[smem:$0x3FB6] =	sst s0;
	s0 =	simm.s32 @!p1 $0x0  }
0x14: {  	s2 =	sld [smem:$0x3F9A];
	s0 =	simm.s32 @p1 $0x1  }
0x15: {  	[smem:$0x3FB7] =	sst s0;
	s0 =	simm.s32 @!p2 $0x0  }
0x16: {  	s3 =	sld [smem:$0x3FDB];
	s0 =	simm.s32 @p2 $0x1  }
0x17: {  	s4 =	simm.s32 $0x1BF5;
	[smem:$0x3FB9] =	sst s0  }
0x18: {  	s0 =	sld [smem:$0x3F9C];
	_ =	swait.ge [sflag:s4], $0x0  }
0x19: {  	s7 =	sld [smem:$0x3F9D]  }
0x1a: {  	s8 =	sadd.s32 $0xFFFFE003, lr  }
0x1b: {  	s9 =	sadd.s32 $0xFFFFFEF7, lr;
	s5 =	simm.s32 $0xFFFFFFFF;
	p2 =	slt.u32 s8, $0xFFFFF086  }
0x1c: {  	p1 =	slt.u32 s9, $0xF7A;
	s5 =	simm.s32 @!p2 $0x0  }
0x1d: {  	s5 =	simm.s32 @p1 $0x1;
	p0 =	seq.s32 s7, s2  }
0x1e: {  	s7 =	smul.u32 @!p0 $0xF7A, s2;
	p2 =	seq.s32 @!p0 s5, $0x0  }
0x1f: {  	s9 =	smul.u32 $0xF7A, s1;
	s8 =	simm.s32 @!p0 $0x1BF5;
	p2 =	por !p2, p0  }
0x20: {  	[sflag:s8] =	ssyncset.s32 @!p0 $0xFFFFF086;
	s6 =	sadd.s32 @!p0 s3, s7;
	s7 =	simm.s32 @!p0 $0x108  }
0x21: {  	s3 =	sadd.s32 s3, s9;
	s6 =	sadd.s32 @!p0 $0x88, s6;
	s7 =	simm.s32 @p2 $0x1082  }
0x22: {  	[simem:s7], [sflag:s8] =	dma.local @!p0 [hbm:s6], $0xF7A  }
0x23: {  	s9 =	sor.u32 $0xD0000000, s2;
	s6 =	simm.s32 $0x108;
	_ =	swait.ge @!p0 [sflag:s8], $0x0  }
0x24: {  	s3 =	sadd.s32 $0x88, s3;
	s6 =	simm.s32 @!p1 $0x1082;
	[sflag:s4] =	ssyncset.s32 $0xFFFFF086  }
0x25: {  	[simem:s6], [sflag:s4] =	dma.local [hbm:s3], $0xF7A  }
0x26: {  	[smem:$0x3F9D] =	sst s1;
	(tag) =	ssettag s2;
	_ =	strace s9  }
0x27: {  	s1 =	sld [smem:$0x3FAD]  }
0x28: {  	s2 =	sld [smem:$0x3FAE]  }
0x29: {  	s4 =	sld [smem:$0x3FB0]  }
0x2a: {  	p0 =	seq.s32 s5, $0x0;
	s5 =	sld [smem:$0x3FB1]  }
0x2b: {  	s6 =	sld [smem:$0x3FB2]  }
0x2c: {  	s7 =	sld [smem:$0x3FB3]  }
0x2d: {  	s3 =	simm.s32 $0x108;
	s8 =	sld [smem:$0x3FB4]  }
0x2e: {  	s3 =	simm.s32 @!p0 $0x1082;
	s9 =	sld [smem:$0x3FB5]  }
0x2f: {  	lr =	sadd.s32 s0, s3;
	s0 =	sld [smem:$0x3FAC]  }
0x30: {  	s3 =	sld [smem:$0x3FAF]  }
0x31: {  	[smem:$0x3FB8] =	sst s10  }
0x32: {  	s10 =	sld [smem:$0x3FB6];
	_ =	sdelay $0x3  }
0x33: {  	p0 =	seq.s32 s10, $0x1;
	s10 =	sld [smem:$0x3FB8];
	_ =	sdelay $0x3  }
0x34: {  	[smem:$0x3FB8] =	sst s10  }
0x35: {  	s10 =	sld [smem:$0x3FB7];
	_ =	sdelay $0x3  }
0x36: {  	p1 =	seq.s32 s10, $0x1;
	s10 =	sld [smem:$0x3FB8];
	_ =	sdelay $0x3  }
0x37: {  	[smem:$0x3FB8] =	sst s10  }
0x38: {  	s10 =	sld [smem:$0x3FB9]  }
0x39: {  	_ = 	snop;
	(pc) =	sbr.ind lr, $3  }
0x3a: {  	_ = 	snop  }
0x3b: {  	_ = 	snop  }
0x3c: {  	p2 =	seq.s32 s10, $0x1;
	s10 =	sld [smem:$0x3FB8]  }
0x3d: {  	_ =	shalt  }
0x3e: {  	_ =	shalt  }
0x3f: {  	_ =	shalt  }
0x40: {  	_ =	shalt  }
0x41: {  	_ =	shalt  }
0x42: {  	_ =	shalt  }
0x43: {  	_ =	shalt  }
0x44: {  	_ =	shalt  }
0x45: {  	_ =	shalt  }
0x46: {  	_ =	shalt  }
0x47: {  	_ =	shalt  }
0x48: {  	_ =	shalt  }
0x49: {  	_ =	shalt  }
0x4a: {  	_ =	shalt  }
0x4b: {  	_ =	shalt  }
0x4c: {  	_ =	shalt  }
0x4d: {  	_ =	shalt  }
0x4e: {  	_ =	shalt  }
0x4f: {  	_ =	shalt  }
0x50: {  	_ =	shalt  }
0x51: {  	_ =	shalt  }
0x52: {  	_ =	shalt  }
0x53: {  	_ =	shalt  }
0x54: {  	_ =	shalt  }
0x55: {  	_ =	shalt  }
0x56: {  	_ =	shalt  }
0x57: {  	_ =	shalt  }
0x58: {  	_ =	shalt  }
0x59: {  	_ =	shalt  }
0x5a: {  	_ =	shalt  }
0x5b: {  	_ =	shalt  }
0x5c: {  	_ =	shalt  }
0x5d: {  	_ =	shalt  }
0x5e: {  	_ =	shalt  }
0x5f: {  	_ =	shalt  }
0x60: {  	_ =	shalt  }
0x61: {  	_ =	shalt  }
0x62: {  	_ =	shalt  }
0x63: {  	_ =	shalt  }
0x64: {  	_ =	shalt  }
0x65: {  	_ =	shalt  }
0x66: {  	_ =	shalt  }
0x67: {  	_ =	shalt  }
0x68: {  	_ =	shalt  }
0x69: {  	_ =	shalt  }
0x6a: {  	_ =	shalt  }
0x6b: {  	_ =	shalt  }
0x6c: {  	_ =	shalt  }
0x6d: {  	_ =	shalt  }
0x6e: {  	_ =	shalt  }
0x6f: {  	_ =	shalt  }
0x70: {  	_ =	shalt  }
0x71: {  	_ =	shalt  }
0x72: {  	_ =	shalt  }
0x73: {  	_ =	shalt  }
0x74: {  	_ =	shalt  }
0x75: {  	_ =	shalt  }
0x76: {  	_ =	shalt  }
0x77: {  	_ =	shalt  }
0x78: {  	_ =	shalt  }
0x79: {  	_ =	shalt  }
0x7a: {  	_ =	shalt  }
0x7b: {  	_ =	shalt  }
0x7c: {  	_ =	shalt  }
0x7d: {  	_ =	shalt  }
0x7e: {  	_ =	shalt  }
0x7f: {  	_ =	shalt  }
0x80: {  	_ =	shalt  }
0x81: {  	_ =	shalt  }
0x82: {  	_ =	shalt  }
0x83: {  	_ =	shalt  }
0x84: {  	_ =	shalt  }
0x85: {  	_ =	shalt  }
0x86: {  	_ =	shalt  }
0x87: {  	_ =	shalt  }
.Lfunc_end0:
.L_simem_size_0:
called_computation.1_lowered:
.L_overlay_start_0:
0x88: {  	s2 =	sld [smem:$0x3FD9]  }
0x89: {  	s3 =	sld [smem:$0x3FFE];
	_ =	sdelay $0x1  }
0x8a: {  	s1 =	srdreg.scid  }
0x8b: {  	s0 =	sand.u32 $0x1, s1  }
0x8c: {  	s14 =	sshll.u32 s0, $0xA;
	s2 =	sadd.s32 s3, s2  }
0x8d: {  	s2 =	sadd.s32 s2, s14  }
0x8e: {  	[smem:$0x3FC4] =	sst s2  }
0x8f: {  	_ = 	snop  }
0x90: {  	s2 =	sld [smem:$0x3FD0];
	_ =	sdelay $0x2  }
0x91: {  	s15 =	simm.s32 $0xA;
	s4 =	simm.s32 $0x10  }
0x92: {  	[smem:s4], [sflag:s15] =	dma.local [hbm:s2], $0x1  }
0x93: {  	_ =	swait.eq [sflag:s15], $0x1  }
0x94: {  	[sflag:s15] =	ssyncset.done $0x0  }
0x95: {  	[sflag:s15] =	ssyncadd.s32 $0xFFFFFFFF  }
0x96: {  	s16 =	sld [smem:$0x10];
	(tm) =	ssettm $0x1  }
0x97: {  	s17 =	sld [smem:$0x3FFB];
	_ =	sdelay $0x3  }
0x98: {  	_ =	strace s17  }
0x99: {  	s3 =	sld [smem:$0x3FFC];
	_ =	sdelay $0x3  }
0x9a: {  	_ =	strace s3  }
0x9b: {  	s3 =	sld [smem:$0x3FFD];
	_ =	sdelay $0x3  }
0x9c: {  	_ =	strace s3  }
0x9d: {  	_ =	strace $0x8FFFFFFF  }
0x9e: {  	s18 =	sld [smem:$0x3FDB];
	_ =	sdelay $0x1  }
0x9f: {  	s19 =	simm.s32 $_scs_section_size  }
0xa0: {  	s5 =	simm.s32 $_size__tile_overlayer_lowered;
	s6 =	simm.s32 $_tile_overlayer_lowered  }
0xa1: {  	s22 =	simm.s32 $0x1BFF;
	s21 =	sshll.u32 s6, $0x1;
	s3 =	sadd.s32 s19, s18  }
0xa2: {  	s7 =	simm.s32 $0x0;
	s20 =	sshll.u32 s5, $0x1;
	s5 =	sadd.s32 s21, s3  }
0xa3: {  	[timem:s7], [sflag:s22] =	dma.local [hbm:s5], s20  }
0xa4: {  	_ =	swait.ge [sflag:s22], s20  }
0xa5: {  	s4 =	ssub.s32 $0x0, s20;
	[sflag:s22] =	ssyncset.done $0x0  }
0xa6: {  	[sflag:s22] =	ssyncadd.s32 s4;
	_ =	sdelay $0x1  }
0xa7: {  	s23 =	simm.s32 $0x1B8B  }
0xa8: {  	_ =	swait.ge [sflag:s23], $0x1  }
0xa9: {  	[sflag:s23] =	ssyncset.done $0x0  }
0xaa: {  	s25 =	simm.s32 $0x1B8E;
	s24 =	sld [smem:$0x3FFE];
	[sflag:s23] =	ssyncadd.s32 $0xFFFFFFFF  }
0xab: {  	s26 =	simm.s32 $execute0_lowered;
	[smem:$0x3FD2] =	sst s25  }
0xac: {  	s5 =	sshll.u32 s26, $0x1;
	_ =	strace $0x80000049;
	[dreg:$0x1] =	wrdreg $0xFFFFFFFF  }
0xad: {  	s28 =	simm.s32 $_size_execute0_lowered;
	s3 =	sadd.s32 s3, s5;
	[dreg:$0x0] =	wrdreg $0x0  }
0xae: {  	s5 =	sshll.u32 s28, $0x1;
	[dreg:$0x2] =	wrdreg s3  }
0xaf: {  	[dreg:$0x3] =	wrdreg s5  }
0xb0: {  	[dreg:$0x4] =	wrdreg $0xC0  }
0xb1: {  	_ =	task [dreg:s7], $0x5FFFF  }
0xb2: {  	[dreg:$0x1] =	wrdreg $0xFFFFFFFF  }
0xb3: {  	[dreg:$0x0] =	wrdreg $0x60  }
0xb4: {  	[dreg:$0x2] =	wrdreg s24  }
0xb5: {  	[dreg:$0x3] =	wrdreg s16  }
0xb6: {  	[dreg:$0x4] =	wrdreg $0xA8000  }
0xb7: {  	[dreg:$0x5] =	wrdreg $0x9  }
0xb8: {  	_ =	task.clear_ibuf [dreg:s7], $0x6FFFF;
	_ =	strace $0x90000049  }
0xb9: {  	s29 =	simm.s32 $0x9;
	_ =	strace $0x8000004B  }
0xba: {  	_ =	swait.ge [sflag:s29], $0x1  }
0xbb: {  	[sflag:s29] =	ssyncadd.s32 $0xFFFFFFFF  }
0xbc: {  	_ =	strace $0x9000004B  }
0xbd: {  	_ =	sfence  }
0xbe: {  	s30 =	sld [smem:$0x0];
	_ =	sdelay $0x2  }
0xbf: {  	s31 =	sshll.u32 s1, $0xD;
	s1 =	sshrl.u32 s1, $0x2  }
0xc0: {  	s3 =	sand.u32 $0x4000, s31;
	s1 =	sadd.s32 s1, s30  }
0xc1: {  	s0 =	sor.u32 s3, s0;
	s1 =	sshll.u32 s1, $0x11  }
0xc2: {  	s0 =	sor.u32 s1, s0  }
0xc3: {  	s0 =	sadd.s32 $0x8F2B, s0  }
0xc4: {  	[sflag:s0] =	ssyncadd.remote.s32 $0x1  }
0xc5: {  	_ =	sfence.sel $0xFFFF  }
0xc6: {  	[dreg:$0x0] =	wrdreg $0xFFFFFFFF;
	(pc) =	sbr.abs _section_cstart, $3  }
0xc7: {  	[dreg:$0x1] =	wrdreg $0xFFFFFFFF  }
0xc8: {  	_ =	task.clear_ibuf [dreg:s7], $0x2FFFF;
	_ =	strace $0x9FFFFFFF  }
0xc9: {  	(tm) =	ssettm $0x7FFFFFFF  }
tec
execute0_lowered:
.L_overlay_start_1:
0x0: {  	(tag) =	ssettag $0x1  }
0x1: {  	s6 =	rddreg [dreg:$0x0]  }
0x2: {  	s1 =	rddreg [dreg:$0x1]  }
0x3: {  	s2 =	rddreg [dreg:$0x2]  }
0x4: {  	s3 =	srdreg.scid;
	s0 =	rddreg [dreg:$0x3];
	s4 =	simm.s32 $0x0  }
0x5: {  	s16 =	simm.s32 $0x1400;
	s17 =	simm.s32 $0x1;
	s18 =	simm.s32 $0x80  }
0x6: {  	s19 =	simm.s32 $0x2800;
	s20 =	simm.s32 $0x6800;
	s21 =	simm.s32 $0x2  }
0x7: {  	s22 =	simm.s32 $0x2700;
	s23 =	simm.s32 $0x2780;
	s24 =	simm.s32 $0x0  }
0x8: {  	s7 =	sand.u32 $0x1, s3;
	s3 =	stileid.u32;
	[smem:$0x7FF] =	sst s4  }
0x9: {  	s10 =	sadd.s32 $0x2200, s6;
	s11 =	sadd.s32 $0xC200, s6;
	s5 =	smul.u32 $0x140000, s7  }
0xa: {  	s8 =	smul.u32 $0x14000, s3;
	_ =	strace $0x8000004A;
	s9 =	sshll.u32 s7, $0x4  }
0xb: {  	s7 =	ssub.s32 $0x2, s7;
	s12 =	smul.u32 $0x50000, s3;
	s9 =	sor.u32 s3, s9  }
0xc: {  	s28 =	sshrl.u32 s7, $0x1;
	s8 =	sadd.s32 s8, s5;
	s5 =	sadd.s32 $0x16200, s6  }
0xd: {  	s29 =	smul.u32 $0x2800, s9;
	s14 =	ssub.s32 s7, s28;
	s8 =	sshrl.u32 s8, $0x3  }
0xe: {  	s30 =	sshrl.u32 s12, $0x2;
	s13 =	sadd.s32 s8, s6;
	s6 =	sshll.u32 s3, $0x6  }
0xf: {  	s15 =	sadd.s32 s30, s2;
	s31 =	sshrl.u32 s29, $0x3;
	s7 =	sor.u32 $0x1C01, s6  }
0x10: {  	s8 =	sadd.s32 s10, s31;
	s9 =	sadd.s32 s11, s31;
	s12 =	sadd.s32 $0x280, s31  }
0x11: {  	s10 =	sadd.s32 s10, s12;
	s11 =	sadd.s32 s11, s12;
	s12 =	sadd.s32 $0x18A00, s13  }
0x12: {  	s13 =	smax.u32 s14, $0x1;
	s14 =	sshrl.u32 s15, $0x3;
	s15 =	simm.s32 $0x3  }
.LBB2_1:
0x13: {  	[spmem:s14], [sflag:s7] =	dma.local [hbm:s5], $0x2800  }
0x14: {  	[tilespmem:s4], [sflag:$0x3] =	stream.linear.gather [hbm4b:s8+s4], $0x1400, $0x38;
	[tilespmem:$0x1E800] =	vst v63  }
0x15: {  	_ =	swait.ge [sflag:s15], $0x1400  }
0x16: {  	[sflag:s15] =	ssyncset.done $0x0  }
0x17: {  	[sflag:s15] =	ssyncadd.s32 $0xFFFFEC00  }
0x18: {  	[tilespmem:s16], [sflag:$0x3] =	stream.linear.gather [hbm4b:s9+s4], $0x1400, $0x38;
	[tilespmem:$0x1E800] =	vst v63  }
0x19: {  	_ =	swait.ge [sflag:s15], $0x1400  }
0x1a: {  	[sflag:s15] =	ssyncset.done $0x0  }
0x1b: {  	[sflag:s15] =	ssyncadd.s32 $0xFFFFEC00  }
0x1c: {  	_ =	swait.ge [sflag:s17], $0x2800  }
0x1d: {  	[sflag:s17] =	ssyncset.done $0x0  }
0x1e: {  	[sflag:s17] =	ssyncadd.s32 $0xFFFFD800  }
0x1f: {  	[bflag:$0x0] =	sbarrier.arrive $0xFFFF  }
0x20: {  	[tilespmem:s19], [sflag:$0x1] =	stream.indirect.gather [hbm4b:s1+s18], $0x80, s4, s18, $0xb8;
	[tilespmem:$0x1E800] =	vst v63  }
0x21: {  	_ = 	snop  }
0x22: {  	[tilespmem:s20], [sflag:$0x2] =	stream.indirect.gather [hbm4b:s1+s18], $0x80, s18, s18, $0xb8;
	[tilespmem:$0x1E800] =	vst v63  }
0x23: {  	_ =	swait.ge [sflag:s17], $0x4000  }
0x24: {  	[sflag:s17] =	ssyncset.done $0x0  }
0x25: {  	s25 =	simm.s32 $0x1400;
	[sflag:s17] =	ssyncadd.s32 $0xFFFFC000  }
0x26: {  	[spmem:s2] =	stream.indirect.scatter.add.f32 [tilespmem:s19], [sflag:$0x3], $0x80, s25, s18, $0xb8;
	[tilespmem:$0x1E800] =	vst v63  }
0x27: {  	_ =	swait.ge [sflag:s15], $0x4000  }
0x28: {  	[sflag:s15] =	ssyncset.done $0x0  }
0x29: {  	s30 =	simm.s32 $0x100;
	[sflag:s15] =	ssyncadd.s32 $0xFFFFC000  }
0x2a: {  	[tilespmem:s19], [sflag:$0x1] =	stream.indirect.gather [hbm4b:s1+s18], $0x80, s30, s18, $0xb8;
	[tilespmem:$0x1E800] =	vst v63  }
0x2b: {  	_ =	swait.ge [sflag:s21], $0x4000  }
0x2c: {  	[sflag:s21] =	ssyncset.done $0x0  }
0x2d: {  	s31 =	simm.s32 $0x1480;
	[sflag:s21] =	ssyncadd.s32 $0xFFFFC000  }
0x2e: {  	[spmem:s2] =	stream.indirect.scatter.add.f32 [tilespmem:s20], [sflag:$0x3], $0x80, s31, s18, $0xb8;
	[tilespmem:$0x1E800] =	vst v63  }
0x2f: {  	_ =	swait.ge [sflag:s15], $0x4000  }
0x30: {  	[sflag:s15] =	ssyncset.done $0x0  }
0x31: {  	s26 =	simm.s32 $0x180;
	s25 =	simm.s32 $0x400;
	[sflag:s15] =	ssyncadd.s32 $0xFFFFC000  }
.LBB2_2:
0x32: {  	[tilespmem:s20], [sflag:$0x2] =	stream.indirect.gather [hbm4b:s1+s18], $0x80, s26, s18, $0xb8;
	[tilespmem:$0x1E800] =	vst v63  }
0x33: {  	s26 =	smov.u32 s25  }
0x34: {  	p0 =	sne.s32 s25, $0x4800;
	s25 =	sadd.s32 $0x400, s25;
	_ =	swait.ge [sflag:s17], $0x4000  }
0x35: {  	s26 =	sshra.s32 s26, $0x2;
	[sflag:s17] =	ssyncset.done $0x0  }
0x36: {  	s28 =	sadd.s32 $0x1400, s26;
	[sflag:s17] =	ssyncadd.s32 $0xFFFFC000  }
0x37: {  	[spmem:s2] =	stream.indirect.scatter.add.f32 [tilespmem:s19], [sflag:$0x3], $0x80, s28, s18, $0xb8;
	[tilespmem:$0x1E800] =	vst v63  }
0x38: {  	_ =	swait.ge [sflag:s15], $0x4000  }
0x39: {  	[sflag:s15] =	ssyncset.done $0x0  }
0x3a: {  	s28 =	sadd.s32 $0x100, s26;
	[sflag:s15] =	ssyncadd.s32 $0xFFFFC000  }
0x3b: {  	[tilespmem:s19], [sflag:$0x1] =	stream.indirect.gather [hbm4b:s1+s18], $0x80, s28, s18, $0xb8;
	[tilespmem:$0x1E800] =	vst v63  }
0x3c: {  	_ =	swait.ge [sflag:s21], $0x4000  }
0x3d: {  	[sflag:s21] =	ssyncset.done $0x0  }
.Ltmp0:
0x3e: {  	s28 =	sadd.s32 $0x1480, s26;
	[sflag:s21] =	ssyncadd.s32 $0xFFFFC000;
	(pc) =	sbr.rel @p0 .LBB2_2-.Ltmp0, $4  }
0x3f: {  	[spmem:s2] =	stream.indirect.scatter.add.f32 [tilespmem:s20], [sflag:$0x3], $0x80, s28, s18, $0xb8;
	[tilespmem:$0x1E800] =	vst v63  }
0x40: {  	_ =	swait.ge [sflag:s15], $0x4000  }
0x41: {  	[sflag:s15] =	ssyncset.done $0x0  }
0x42: {  	s26 =	sadd.s32 $0x180, s26;
	[sflag:s15] =	ssyncadd.s32 $0xFFFFC000  }
0x43: {  	[tilespmem:s20], [sflag:$0x2] =	stream.indirect.gather [hbm4b:s1+s18], $0x80, s26, s18, $0xb8;
	[tilespmem:$0x1E800] =	vst v63  }
0x44: {  	_ =	swait.ge [sflag:s17], $0x4000  }
0x45: {  	[sflag:s17] =	ssyncset.done $0x0  }
0x46: {  	[sflag:s17] =	ssyncadd.s32 $0xFFFFC000  }
0x47: {  	[spmem:s2] =	stream.indirect.scatter.add.f32 [tilespmem:s19], [sflag:$0x3], $0x80, s22, s18, $0xb8;
	[tilespmem:$0x1E800] =	vst v63  }
0x48: {  	_ =	swait.ge [sflag:s15], $0x4000  }
0x49: {  	[sflag:s15] =	ssyncset.done $0x0  }
0x4a: {  	[sflag:s15] =	ssyncadd.s32 $0xFFFFC000  }
0x4b: {  	_ =	swait.ge [sflag:s21], $0x4000  }
0x4c: {  	[sflag:s21] =	ssyncset.done $0x0  }
0x4d: {  	[sflag:s21] =	ssyncadd.s32 $0xFFFFC000  }
0x4e: {  	[spmem:s2] =	stream.indirect.scatter.add.f32 [tilespmem:s20], [sflag:$0x3], $0x80, s23, s18, $0xb8;
	[tilespmem:$0x1E800] =	vst v63  }
0x4f: {  	_ =	swait.ge [sflag:s15], $0x4000  }
0x50: {  	[sflag:s15] =	ssyncset.done $0x0  }
0x51: {  	s25 =	simm.s32 $0x0;
	[sflag:s15] =	ssyncadd.s32 $0xFFFFC000  }
0x52: {  	[tilespmem:s25], [sflag:$0x3] =	stream.linear.gather [hbm4b:s10+s25], $0x1400, $0x38;
	[tilespmem:$0x1E800] =	vst v63  }
0x53: {  	_ =	swait.ge [sflag:s15], $0x1400  }
0x54: {  	[sflag:s15] =	ssyncset.done $0x0  }
0x55: {  	[sflag:s15] =	ssyncadd.s32 $0xFFFFEC00  }
0x56: {  	[tilespmem:s16], [sflag:$0x3] =	stream.linear.gather [hbm4b:s11+s25], $0x1400, $0x38;
	[tilespmem:$0x1E800] =	vst v63  }
0x57: {  	_ =	swait.ge [sflag:s15], $0x1400  }
0x58: {  	[sflag:s15] =	ssyncset.done $0x0  }
0x59: {  	[sflag:s15] =	ssyncadd.s32 $0xFFFFEC00  }
0x5a: {  	[tilespmem:s19], [sflag:$0x1] =	stream.indirect.gather [hbm4b:s1+s18], $0x80, s25, s18, $0xb8;
	[tilespmem:$0x1E800] =	vst v63  }
0x5b: {  	_ = 	snop  }
0x5c: {  	[tilespmem:s20], [sflag:$0x2] =	stream.indirect.gather [hbm4b:s1+s18], $0x80, s18, s18, $0xb8;
	[tilespmem:$0x1E800] =	vst v63  }
0x5d: {  	_ =	swait.ge [sflag:s17], $0x4000  }
0x5e: {  	[sflag:s17] =	ssyncset.done $0x0  }
0x5f: {  	s29 =	simm.s32 $0x1400;
	[sflag:s17] =	ssyncadd.s32 $0xFFFFC000  }
0x60: {  	[spmem:s2] =	stream.indirect.scatter.add.f32 [tilespmem:s19], [sflag:$0x3], $0x80, s29, s18, $0xb8;
	[tilespmem:$0x1E800] =	vst v63  }
0x61: {  	_ =	swait.ge [sflag:s15], $0x4000  }
0x62: {  	[sflag:s15] =	ssyncset.done $0x0  }
0x63: {  	s30 =	simm.s32 $0x100;
	[sflag:s15] =	ssyncadd.s32 $0xFFFFC000  }
0x64: {  	[tilespmem:s19], [sflag:$0x1] =	stream.indirect.gather [hbm4b:s1+s18], $0x80, s30, s18, $0xb8;
	[tilespmem:$0x1E800] =	vst v63  }
0x65: {  	_ =	swait.ge [sflag:s21], $0x4000  }
0x66: {  	[sflag:s21] =	ssyncset.done $0x0  }
0x67: {  	s31 =	simm.s32 $0x1480;
	[sflag:s21] =	ssyncadd.s32 $0xFFFFC000  }
0x68: {  	[spmem:s2] =	stream.indirect.scatter.add.f32 [tilespmem:s20], [sflag:$0x3], $0x80, s31, s18, $0xb8;
	[tilespmem:$0x1E800] =	vst v63  }
0x69: {  	_ =	swait.ge [sflag:s15], $0x4000  }
0x6a: {  	[sflag:s15] =	ssyncset.done $0x0  }
0x6b: {  	s26 =	simm.s32 $0x180;
	s25 =	simm.s32 $0x400;
	[sflag:s15] =	ssyncadd.s32 $0xFFFFC000  }
.LBB2_4:
0x6c: {  	[tilespmem:s20], [sflag:$0x2] =	stream.indirect.gather [hbm4b:s1+s18], $0x80, s26, s18, $0xb8;
	[tilespmem:$0x1E800] =	vst v63  }
0x6d: {  	s26 =	smov.u32 s25  }
0x6e: {  	p0 =	sne.s32 s25, $0x4800;
	s25 =	sadd.s32 $0x400, s25;
	_ =	swait.ge [sflag:s17], $0x4000  }
0x6f: {  	s26 =	sshra.s32 s26, $0x2;
	[sflag:s17] =	ssyncset.done $0x0  }
0x70: {  	s28 =	sadd.s32 $0x1400, s26;
	[sflag:s17] =	ssyncadd.s32 $0xFFFFC000  }
0x71: {  	[spmem:s2] =	stream.indirect.scatter.add.f32 [tilespmem:s19], [sflag:$0x3], $0x80, s28, s18, $0xb8;
	[tilespmem:$0x1E800] =	vst v63  }
0x72: {  	_ =	swait.ge [sflag:s15], $0x4000  }
0x73: {  	[sflag:s15] =	ssyncset.done $0x0  }
0x74: {  	s28 =	sadd.s32 $0x100, s26;
	[sflag:s15] =	ssyncadd.s32 $0xFFFFC000  }
0x75: {  	[tilespmem:s19], [sflag:$0x1] =	stream.indirect.gather [hbm4b:s1+s18], $0x80, s28, s18, $0xb8;
	[tilespmem:$0x1E800] =	vst v63  }
0x76: {  	_ =	swait.ge [sflag:s21], $0x4000  }
0x77: {  	[sflag:s21] =	ssyncset.done $0x0  }
.Ltmp1:
0x78: {  	s28 =	sadd.s32 $0x1480, s26;
	[sflag:s21] =	ssyncadd.s32 $0xFFFFC000;
	(pc) =	sbr.rel @p0 .LBB2_4-.Ltmp1, $4  }
0x79: {  	[spmem:s2] =	stream.indirect.scatter.add.f32 [tilespmem:s20], [sflag:$0x3], $0x80, s28, s18, $0xb8;
	[tilespmem:$0x1E800] =	vst v63  }
0x7a: {  	_ =	swait.ge [sflag:s15], $0x4000  }
0x7b: {  	[sflag:s15] =	ssyncset.done $0x0  }
0x7c: {  	s26 =	sadd.s32 $0x180, s26;
	[sflag:s15] =	ssyncadd.s32 $0xFFFFC000  }
0x7d: {  	[tilespmem:s20], [sflag:$0x2] =	stream.indirect.gather [hbm4b:s1+s18], $0x80, s26, s18, $0xb8;
	[tilespmem:$0x1E800] =	vst v63  }
0x7e: {  	_ =	swait.ge [sflag:s17], $0x4000  }
0x7f: {  	[sflag:s17] =	ssyncset.done $0x0  }
0x80: {  	[sflag:s17] =	ssyncadd.s32 $0xFFFFC000  }
0x81: {  	[spmem:s2] =	stream.indirect.scatter.add.f32 [tilespmem:s19], [sflag:$0x3], $0x80, s22, s18, $0xb8;
	[tilespmem:$0x1E800] =	vst v63  }
0x82: {  	_ =	swait.ge [sflag:s15], $0x4000  }
0x83: {  	[sflag:s15] =	ssyncset.done $0x0  }
0x84: {  	[sflag:s15] =	ssyncadd.s32 $0xFFFFC000  }
0x85: {  	_ =	swait.ge [sflag:s21], $0x4000  }
0x86: {  	[sflag:s21] =	ssyncset.done $0x0  }
0x87: {  	[sflag:s21] =	ssyncadd.s32 $0xFFFFC000  }
0x88: {  	[spmem:s2] =	stream.indirect.scatter.add.f32 [tilespmem:s20], [sflag:$0x3], $0x80, s23, s18, $0xb8;
	[tilespmem:$0x1E800] =	vst v63  }
0x89: {  	_ =	swait.ge [sflag:s15], $0x4000  }
0x8a: {  	s24 =	sadd.s32 $0x1, s24;
	[sflag:s15] =	ssyncset.done $0x0  }
0x8b: {  	p0 =	sne.s32 s24, s13;
	[sflag:s15] =	ssyncadd.s32 $0xFFFFC000  }
.Ltmp2:
0x8c: {  	s25 =	sor.u32 $0x1C03, s6;
	[bflag:$0x0] =	sbarrier.arrive $0xFFFF;
	(pc) =	sbr.rel @p0 .LBB2_1-.Ltmp2, $4  }
0x8d: {  	[hbm:s12], [sflag:s25] =	dma.local [spmem:s14], $0x2800  }
0x8e: {  	_ =	swait.ge [sflag:s15], $0x2800  }
0x8f: {  	[sflag:s15] =	ssyncset.done $0x0  }
0x90: {  	[sflag:s15] =	ssyncadd.s32 $0xFFFFD800  }
0x91: {  	_ =	sfence.sel $0x180000  }
0x92: {  	[bflag:$0x0] =	sbarrier.arrive $0xFFFF  }
0x93: {  	p0 =	sne.s32 s3, $0x0;
	_ =	strace $0x9000004A  }
0x94: {  	s0 =	sadd.s32 @!p0 $0x100000, s0;
	[bflag:$0x2] =	sbarrier.arrive $0xFFFF  }
0x95: {  	[sflag:s0] =	ssyncadd.tile.s32 @!p0 $0x1;
	_ =	shalt  }
.Lfunc_end2:
_tile_overlayer_lowered:
.L_overlay_start_2:
0x96: {  	(tag) =	ssettag $0x2  }
0x97: {  	s0 =	rddreg [dreg:$0x0];
	s2 =	stileid.u32  }
0x98: {  	s1 =	rddreg [dreg:$0x1];
	p0 =	sne.s32 s2, $0x0  }
0x99: {  	s3 =	rddreg [dreg:$0x2];
	[bflag:$0x3] =	sbarrier.arrive $0xFFFF;
	s2 =	simm.s32 @!p0 $0x1C03  }
0x9a: {  	[timem:s3], [sflag:s2] =	dma.local @!p0 [hbm:s0], s1  }
0x9b: {  	s0 =	simm.s32 @!p0 $0x3  }
0x9c: {  	_ =	swait.ge @!p0 [sflag:s0], s1  }
0x9d: {  	s1 =	ssub.s32 @!p0 $0x0, s1;
	[sflag:s0] =	ssyncset.done @!p0 $0x0  }
0x9e: {  	[sflag:s0] =	ssyncadd.s32 @!p0 s1  }
0x9f: {  	[bflag:$0x3] =	sbarrier.arrive $0xFFFF  }
0xa0: {  	_ =	shalt  }

</sc_bundles>
